<compile_context>
chip_gen: v7x
topology: tpu7x:2x2x1
jax: 0.10.2.dev20260603
libtpu: 0.0.44.dev20260713+nightly
codegen_flags: <defaults>
</compile_context>

<pallas_src>
import functools

import jax
import jax.numpy as jnp
from jax import lax
from jax.experimental import pallas as pl
from jax.experimental.pallas import tpu as pltpu
from jax.experimental.pallas import tpu_sc as plsc

NUM_CORES = 2
NUM_SUBCORES = 16
LANES = 16
NW = NUM_CORES * NUM_SUBCORES

BATCH = 16384
N_FIELDS = 26
ROWS_PER_W = BATCH // NW
IDX_PER_W = ROWS_PER_W * N_FIELDS
IDX_ROWS = IDX_PER_W // LANES


TABLE = 1000000
STAGE_CHUNK = 62496
STAGE_TAIL = TABLE - 16 * STAGE_CHUNK
STAGE_ROUNDS = 4
STAGE_RB = STAGE_CHUNK // STAGE_ROUNDS


def _sc_lr(x3, w2d, bias1):
    mesh = plsc.VectorSubcoreMesh(core_axis_name="c", subcore_axis_name="s")

    @functools.partial(
        pl.kernel,
        out_type=jax.ShapeDtypeStruct((BATCH,), jnp.float32),
        mesh=mesh,
        compiler_params=pltpu.CompilerParams(needs_layout_passes=False),
        scratch_types=[
            pltpu.VMEM((IDX_PER_W,), jnp.int32),
            pltpu.VMEM((IDX_PER_W,), jnp.float32),
            pltpu.VMEM((LANES,), jnp.float32),
            pltpu.VMEM((ROWS_PER_W,), jnp.float32),
            pltpu.VMEM((STAGE_RB,), jnp.float32),
            pltpu.VMEM((STAGE_RB,), jnp.float32),
            pltpu.VMEM_SHARED((TABLE,), jnp.float32),
            pltpu.SemaphoreType.DMA,
            pltpu.SemaphoreType.DMA,
        ],
    )
    def k(x_hbm, w_hbm, b_hbm, out_hbm, idx_v, val_v, bias_v, out_v,
          stage_a, stage_b, table_sp, sem, sem2):
        s = lax.axis_index("s")
        wid = s * NUM_CORES + lax.axis_index("c")
        wrow = w_hbm.at[0]
        off = s * STAGE_CHUNK
        bufs = (stage_a, stage_b)
        pltpu.async_copy(wrow.at[pl.ds(off, STAGE_RB)], bufs[0], sem2)
        for f in range(N_FIELDS):
            pltpu.async_copy(
                x_hbm.at[pl.ds(f * BATCH + wid * ROWS_PER_W, ROWS_PER_W)],
                idx_v.at[pl.ds(f * ROWS_PER_W, ROWS_PER_W)], sem)
        pltpu.sync_copy(b_hbm, bias_v)
        for r in range(STAGE_ROUNDS):
            ro = off + r * STAGE_RB
            pltpu.make_async_copy(wrow.at[pl.ds(ro, STAGE_RB)],
                                  bufs[r % 2], sem2).wait()
            if r + 1 < STAGE_ROUNDS:
                pltpu.async_copy(wrow.at[pl.ds(ro + STAGE_RB, STAGE_RB)],
                                 bufs[(r + 1) % 2], sem2)
            pltpu.sync_copy(bufs[r % 2], table_sp.at[pl.ds(ro, STAGE_RB)])

        @pl.when(s == 0)
        def _():
            tail0 = 16 * STAGE_CHUNK
            pltpu.sync_copy(wrow.at[pl.ds(tail0, STAGE_TAIL)],
                            stage_a.at[pl.ds(0, STAGE_TAIL)])
            pltpu.sync_copy(stage_a.at[pl.ds(0, STAGE_TAIL)],
                            table_sp.at[pl.ds(tail0, STAGE_TAIL)])

        for f in range(N_FIELDS):
            pltpu.make_async_copy(
                x_hbm.at[pl.ds(f * BATCH + wid * ROWS_PER_W, ROWS_PER_W)],
                idx_v.at[pl.ds(f * ROWS_PER_W, ROWS_PER_W)], sem).wait()
        plsc.subcore_barrier()
        pltpu.async_copy(table_sp.at[idx_v], val_v, sem).wait()

        bias_vec = bias_v[...]

        def jbody(j, _):
            acc = bias_vec
            for f in range(N_FIELDS):
                acc = acc + val_v[pl.ds(f * ROWS_PER_W + j * LANES, LANES)]
            out_v[pl.ds(j * LANES, LANES)] = 1.0 / (1.0 + jnp.exp(-acc))
            return 0

        lax.fori_loop(0, ROWS_PER_W // LANES, jbody, 0)
        pltpu.sync_copy(out_v, out_hbm.at[pl.ds(wid * ROWS_PER_W, ROWS_PER_W)])

    return k(x3, w2d, bias1)


def kernel(x, W, bias):
    x3 = x.T.reshape(-1)
    w2d = W.reshape(1, TABLE)
    bias16 = jnp.broadcast_to(bias.astype(jnp.float32), (LANES,))
    out = _sc_lr(x3, w2d, bias16)
    return out.reshape(BATCH, 1)

# --- scband reference (transcript-rebuilt; emitter-appended) ---
"""Pipeline reference for scband-lr-15453292331636 (READ-ONLY COPY).

The authoritative reference and input builder live on the scoring server;
editing this copy changes nothing except your own understanding.
"""

import jax, jax.numpy as jnp
import numpy as np

FEATURE_NUMS = 1000000
OUTPUT_DIM = 1
BATCH = 16384
N_FIELDS = 26

def setup_inputs(seed: int = 0) -> dict:
    key = jax.random.key(seed)
    k1, k2 = jax.random.split(key)
    x = jax.random.randint(k1, (BATCH, N_FIELDS), 0, FEATURE_NUMS, dtype=jnp.int64 if jax.config.jax_enable_x64 else jnp.int32)
    # xavier_normal_ init for embedding weight of shape (FEATURE_NUMS, OUTPUT_DIM)
    fan_in, fan_out = FEATURE_NUMS, OUTPUT_DIM
    std = float(np.sqrt(2.0 / (fan_in + fan_out)))
    W = jax.random.normal(k2, (FEATURE_NUMS, OUTPUT_DIM), dtype=jnp.float32) * std
    bias = jnp.zeros((OUTPUT_DIM,), dtype=jnp.float32)
    return {"x": x, "W": W, "bias": bias}

def reference(x, W, bias):
    # embedding lookup: (B, F) -> (B, F, OUTPUT_DIM)
    emb = jnp.take(W, x, axis=0)
    out = bias + jnp.sum(emb, axis=1)  # (B, OUTPUT_DIM)
    pctrs = jax.nn.sigmoid(out)
    return pctrs

if __name__ == "__main__":
    import jax
    _d = setup_inputs()
    print(jax.jit(kernel)(*tuple(_d.values())))

</pallas_src>

<mosaic_0001>
#map = affine_map<(d0, d1) -> (0)>
#map1 = affine_map<(d0, d1) -> (0, 0)>
module attributes {stable_mosaic.version = 14 : i64} {
  func.func @k(%arg0: i32, %arg1: i32, %arg2: memref<425984xi32, #tpu.memory_space<hbm>>, %arg3: memref<1x1000000xf32, #tpu.memory_space<hbm>>, %arg4: memref<16xf32, #tpu.memory_space<hbm>>, %arg5: memref<16384xf32, #tpu.memory_space<hbm>>, %arg6: memref<13312xi32, #tpu.memory_space<vmem>>, %arg7: memref<13312xf32, #tpu.memory_space<vmem>>, %arg8: memref<16xf32, #tpu.memory_space<vmem>>, %arg9: memref<512xf32, #tpu.memory_space<vmem>>, %arg10: memref<15624xf32, #tpu.memory_space<vmem>>, %arg11: memref<15624xf32, #tpu.memory_space<vmem>>, %arg12: memref<1000000xf32, #tpu.memory_space<vmem_shared>>, %arg13: memref<!tpu.dma_semaphore, #tpu.memory_space<semaphore_mem>>, %arg14: memref<!tpu.dma_semaphore, #tpu.memory_space<semaphore_mem>>) attributes {dimension_semantics = [#tpu.dimension_semantics<core_parallel>, #tpu.dimension_semantics<subcore_parallel>], iteration_bounds = array<i64: 2, 16>, scalar_prefetch = 0 : i64, scratch_operands = 9 : i64, tpu.core_type = #tpu.core_type<sc_vector_subcore>, window_params = [{transform_indices = #map}, {transform_indices = #map1}, {transform_indices = #map}, {transform_indices = #map}]} {
    %mul3A = arith.constant 2 : i32
    %mul3A_0 = arith.muli %arg1, %mul3A : i32
    %add3A = arith.addi %mul3A_0, %arg0 : i32
    %mul3A_1 = arith.constant 62496 : i32
    %mul3A_2 = arith.muli %arg1, %mul3A_1 : i32
    %dma_start3A = arith.constant 0 : i32
    %dma_start3A_3 = arith.constant 0 : i32
    %dma_start3A_4 = tpu.memref_slice %arg3[%dma_start3A, %dma_start3A_3] : memref<1x1000000xf32, #tpu.memory_space<hbm>> -> memref<1x1000000xf32, #tpu.memory_space<hbm>>
    %dma_start3A_5 = tpu.memref_squeeze %dma_start3A_4 : memref<1x1000000xf32, #tpu.memory_space<hbm>> -> memref<1000000xf32, #tpu.memory_space<hbm>>
    %dma_start3A_6 = tpu.memref_slice %dma_start3A_5[%mul3A_2] : memref<1000000xf32, #tpu.memory_space<hbm>> -> memref<15624xf32, #tpu.memory_space<hbm>>
    %dma_start3A_7 = arith.constant 0 : i32
    %dma_start3A_8 = tpu.memref_slice %arg3[%dma_start3A, %dma_start3A_7] : memref<1x1000000xf32, #tpu.memory_space<hbm>> -> memref<1x1000000xf32, #tpu.memory_space<hbm>>
    %dma_start3A_9 = tpu.memref_squeeze %dma_start3A_8 : memref<1x1000000xf32, #tpu.memory_space<hbm>> -> memref<1000000xf32, #tpu.memory_space<hbm>>
    %dma_start3A_10 = tpu.memref_slice %dma_start3A_9[%mul3A_2] : memref<1000000xf32, #tpu.memory_space<hbm>> -> memref<15624xf32, #tpu.memory_space<hbm>>
    tpu.enqueue_dma source(%dma_start3A_10 : memref<15624xf32, #tpu.memory_space<hbm>>) target(%arg10 : memref<15624xf32, #tpu.memory_space<vmem>>) target_semaphore(%arg14 : memref<!tpu.dma_semaphore, #tpu.memory_space<semaphore_mem>>)
    %mul3A_11 = arith.constant 512 : i32
    %mul3A_12 = arith.muli %add3A, %mul3A_11 : i32
    %add3A_13 = arith.constant 0 : i32
    %add3A_14 = arith.addi %add3A_13, %mul3A_12 : i32
    %dma_start3A_15 = arith.constant 0 : i32
    %dma_start3A_16 = tpu.memref_slice %arg6[%dma_start3A_15] : memref<13312xi32, #tpu.memory_space<vmem>> -> memref<512xi32, #tpu.memory_space<vmem>>
    %dma_start3A_17 = tpu.memref_slice %arg2[%add3A_14] : memref<425984xi32, #tpu.memory_space<hbm>> -> memref<512xi32, #tpu.memory_space<hbm>>
    %dma_start3A_18 = arith.constant 0 : i32
    %dma_start3A_19 = tpu.memref_slice %arg6[%dma_start3A_18] : memref<13312xi32, #tpu.memory_space<vmem>> -> memref<512xi32, #tpu.memory_space<vmem>>
    %dma_start3A_20 = tpu.memref_slice %arg2[%add3A_14] : memref<425984xi32, #tpu.memory_space<hbm>> -> memref<512xi32, #tpu.memory_space<hbm>>
    tpu.enqueue_dma source(%dma_start3A_20 : memref<512xi32, #tpu.memory_space<hbm>>) target(%dma_start3A_19 : memref<512xi32, #tpu.memory_space<vmem>>) target_semaphore(%arg13 : memref<!tpu.dma_semaphore, #tpu.memory_space<semaphore_mem>>)
    %mul3A_21 = arith.constant 512 : i32
    %mul3A_22 = arith.muli %add3A, %mul3A_21 : i32
    %add3A_23 = arith.constant 16384 : i32
    %add3A_24 = arith.addi %add3A_23, %mul3A_22 : i32
    %dma_start3A_25 = arith.constant 512 : i32
    %dma_start3A_26 = tpu.memref_slice %arg6[%dma_start3A_25] : memref<13312xi32, #tpu.memory_space<vmem>> -> memref<512xi32, #tpu.memory_space<vmem>>
    %dma_start3A_27 = tpu.memref_slice %arg2[%add3A_24] : memref<425984xi32, #tpu.memory_space<hbm>> -> memref<512xi32, #tpu.memory_space<hbm>>
    %dma_start3A_28 = arith.constant 512 : i32
    %dma_start3A_29 = tpu.memref_slice %arg6[%dma_start3A_28] : memref<13312xi32, #tpu.memory_space<vmem>> -> memref<512xi32, #tpu.memory_space<vmem>>
    %dma_start3A_30 = tpu.memref_slice %arg2[%add3A_24] : memref<425984xi32, #tpu.memory_space<hbm>> -> memref<512xi32, #tpu.memory_space<hbm>>
    tpu.enqueue_dma source(%dma_start3A_30 : memref<512xi32, #tpu.memory_space<hbm>>) target(%dma_start3A_29 : memref<512xi32, #tpu.memory_space<vmem>>) target_semaphore(%arg13 : memref<!tpu.dma_semaphore, #tpu.memory_space<semaphore_mem>>)
    %mul3A_31 = arith.constant 512 : i32
    %mul3A_32 = arith.muli %add3A, %mul3A_31 : i32
    %add3A_33 = arith.constant 32768 : i32
    %add3A_34 = arith.addi %add3A_33, %mul3A_32 : i32
    %dma_start3A_35 = arith.constant 1024 : i32
    %dma_start3A_36 = tpu.memref_slice %arg6[%dma_start3A_35] : memref<13312xi32, #tpu.memory_space<vmem>> -> memref<512xi32, #tpu.memory_space<vmem>>
    %dma_start3A_37 = tpu.memref_slice %arg2[%add3A_34] : memref<425984xi32, #tpu.memory_space<hbm>> -> memref<512xi32, #tpu.memory_space<hbm>>
    %dma_start3A_38 = arith.constant 1024 : i32
    %dma_start3A_39 = tpu.memref_slice %arg6[%dma_start3A_38] : memref<13312xi32, #tpu.memory_space<vmem>> -> memref<512xi32, #tpu.memory_space<vmem>>
    %dma_start3A_40 = tpu.memref_slice %arg2[%add3A_34] : memref<425984xi32, #tpu.memory_space<hbm>> -> memref<512xi32, #tpu.memory_space<hbm>>
    tpu.enqueue_dma source(%dma_start3A_40 : memref<512xi32, #tpu.memory_space<hbm>>) target(%dma_start3A_39 : memref<512xi32, #tpu.memory_space<vmem>>) target_semaphore(%arg13 : memref<!tpu.dma_semaphore, #tpu.memory_space<semaphore_mem>>)
    %mul3A_41 = arith.constant 512 : i32
    %mul3A_42 = arith.muli %add3A, %mul3A_41 : i32
    %add3A_43 = arith.constant 49152 : i32
    %add3A_44 = arith.addi %add3A_43, %mul3A_42 : i32
    %dma_start3A_45 = arith.constant 1536 : i32
    %dma_start3A_46 = tpu.memref_slice %arg6[%dma_start3A_45] : memref<13312xi32, #tpu.memory_space<vmem>> -> memref<512xi32, #tpu.memory_space<vmem>>
    %dma_start3A_47 = tpu.memref_slice %arg2[%add3A_44] : memref<425984xi32, #tpu.memory_space<hbm>> -> memref<512xi32, #tpu.memory_space<hbm>>
    %dma_start3A_48 = arith.constant 1536 : i32
    %dma_start3A_49 = tpu.memref_slice %arg6[%dma_start3A_48] : memref<13312xi32, #tpu.memory_space<vmem>> -> memref<512xi32, #tpu.memory_space<vmem>>
    %dma_start3A_50 = tpu.memref_slice %arg2[%add3A_44] : memref<425984xi32, #tpu.memory_space<hbm>> -> memref<512xi32, #tpu.memory_space<hbm>>
    tpu.enqueue_dma source(%dma_start3A_50 : memref<512xi32, #tpu.memory_space<hbm>>) target(%dma_start3A_49 : memref<512xi32, #tpu.memory_space<vmem>>) target_semaphore(%arg13 : memref<!tpu.dma_semaphore, #tpu.memory_space<semaphore_mem>>)
    %mul3A_51 = arith.constant 512 : i32
    %mul3A_52 = arith.muli %add3A, %mul3A_51 : i32
    %add3A_53 = arith.constant 65536 : i32
    %add3A_54 = arith.addi %add3A_53, %mul3A_52 : i32
    %dma_start3A_55 = arith.constant 2048 : i32
    %dma_start3A_56 = tpu.memref_slice %arg6[%dma_start3A_55] : memref<13312xi32, #tpu.memory_space<vmem>> -> memref<512xi32, #tpu.memory_space<vmem>>
    %dma_start3A_57 = tpu.memref_slice %arg2[%add3A_54] : memref<425984xi32, #tpu.memory_space<hbm>> -> memref<512xi32, #tpu.memory_space<hbm>>
    %dma_start3A_58 = arith.constant 2048 : i32
    %dma_start3A_59 = tpu.memref_slice %arg6[%dma_start3A_58] : memref<13312xi32, #tpu.memory_space<vmem>> -> memref<512xi32, #tpu.memory_space<vmem>>
    %dma_start3A_60 = tpu.memref_slice %arg2[%add3A_54] : memref<425984xi32, #tpu.memory_space<hbm>> -> memref<512xi32, #tpu.memory_space<hbm>>
    tpu.enqueue_dma source(%dma_start3A_60 : memref<512xi32, #tpu.memory_space<hbm>>) target(%dma_start3A_59 : memref<512xi32, #tpu.memory_space<vmem>>) target_semaphore(%arg13 : memref<!tpu.dma_semaphore, #tpu.memory_space<semaphore_mem>>)
    %mul3A_61 = arith.constant 512 : i32
    %mul3A_62 = arith.muli %add3A, %mul3A_61 : i32
    %add3A_63 = arith.constant 81920 : i32
    %add3A_64 = arith.addi %add3A_63, %mul3A_62 : i32
    %dma_start3A_65 = arith.constant 2560 : i32
    %dma_start3A_66 = tpu.memref_slice %arg6[%dma_start3A_65] : memref<13312xi32, #tpu.memory_space<vmem>> -> memref<512xi32, #tpu.memory_space<vmem>>
    %dma_start3A_67 = tpu.memref_slice %arg2[%add3A_64] : memref<425984xi32, #tpu.memory_space<hbm>> -> memref<512xi32, #tpu.memory_space<hbm>>
    %dma_start3A_68 = arith.constant 2560 : i32
    %dma_start3A_69 = tpu.memref_slice %arg6[%dma_start3A_68] : memref<13312xi32, #tpu.memory_space<vmem>> -> memref<512xi32, #tpu.memory_space<vmem>>
    %dma_start3A_70 = tpu.memref_slice %arg2[%add3A_64] : memref<425984xi32, #tpu.memory_space<hbm>> -> memref<512xi32, #tpu.memory_space<hbm>>
    tpu.enqueue_dma source(%dma_start3A_70 : memref<512xi32, #tpu.memory_space<hbm>>) target(%dma_start3A_69 : memref<512xi32, #tpu.memory_space<vmem>>) target_semaphore(%arg13 : memref<!tpu.dma_semaphore, #tpu.memory_space<semaphore_mem>>)
    %mul3A_71 = arith.constant 512 : i32
    %mul3A_72 = arith.muli %add3A, %mul3A_71 : i32
    %add3A_73 = arith.constant 98304 : i32
    %add3A_74 = arith.addi %add3A_73, %mul3A_72 : i32
    %dma_start3A_75 = arith.constant 3072 : i32
    %dma_start3A_76 = tpu.memref_slice %arg6[%dma_start3A_75] : memref<13312xi32, #tpu.memory_space<vmem>> -> memref<512xi32, #tpu.memory_space<vmem>>
    %dma_start3A_77 = tpu.memref_slice %arg2[%add3A_74] : memref<425984xi32, #tpu.memory_space<hbm>> -> memref<512xi32, #tpu.memory_space<hbm>>
    %dma_start3A_78 = arith.constant 3072 : i32
    %dma_start3A_79 = tpu.memref_slice %arg6[%dma_start3A_78] : memref<13312xi32, #tpu.memory_space<vmem>> -> memref<512xi32, #tpu.memory_space<vmem>>
    %dma_start3A_80 = tpu.memref_slice %arg2[%add3A_74] : memref<425984xi32, #tpu.memory_space<hbm>> -> memref<512xi32, #tpu.memory_space<hbm>>
    tpu.enqueue_dma source(%dma_start3A_80 : memref<512xi32, #tpu.memory_space<hbm>>) target(%dma_start3A_79 : memref<512xi32, #tpu.memory_space<vmem>>) target_semaphore(%arg13 : memref<!tpu.dma_semaphore, #tpu.memory_space<semaphore_mem>>)
    %mul3A_81 = arith.constant 512 : i32
    %mul3A_82 = arith.muli %add3A, %mul3A_81 : i32
    %add3A_83 = arith.constant 114688 : i32
    %add3A_84 = arith.addi %add3A_83, %mul3A_82 : i32
    %dma_start3A_85 = arith.constant 3584 : i32
    %dma_start3A_86 = tpu.memref_slice %arg6[%dma_start3A_85] : memref<13312xi32, #tpu.memory_space<vmem>> -> memref<512xi32, #tpu.memory_space<vmem>>
    %dma_start3A_87 = tpu.memref_slice %arg2[%add3A_84] : memref<425984xi32, #tpu.memory_space<hbm>> -> memref<512xi32, #tpu.memory_space<hbm>>
    %dma_start3A_88 = arith.constant 3584 : i32
    %dma_start3A_89 = tpu.memref_slice %arg6[%dma_start3A_88] : memref<13312xi32, #tpu.memory_space<vmem>> -> memref<512xi32, #tpu.memory_space<vmem>>
    %dma_start3A_90 = tpu.memref_slice %arg2[%add3A_84] : memref<425984xi32, #tpu.memory_space<hbm>> -> memref<512xi32, #tpu.memory_space<hbm>>
    tpu.enqueue_dma source(%dma_start3A_90 : memref<512xi32, #tpu.memory_space<hbm>>) target(%dma_start3A_89 : memref<512xi32, #tpu.memory_space<vmem>>) target_semaphore(%arg13 : memref<!tpu.dma_semaphore, #tpu.memory_space<semaphore_mem>>)
    %mul3A_91 = arith.constant 512 : i32
    %mul3A_92 = arith.muli %add3A, %mul3A_91 : i32
    %add3A_93 = arith.constant 131072 : i32
    %add3A_94 = arith.addi %add3A_93, %mul3A_92 : i32
    %dma_start3A_95 = arith.constant 4096 : i32
    %dma_start3A_96 = tpu.memref_slice %arg6[%dma_start3A_95] : memref<13312xi32, #tpu.memory_space<vmem>> -> memref<512xi32, #tpu.memory_space<vmem>>
    %dma_start3A_97 = tpu.memref_slice %arg2[%add3A_94] : memref<425984xi32, #tpu.memory_space<hbm>> -> memref<512xi32, #tpu.memory_space<hbm>>
    %dma_start3A_98 = arith.constant 4096 : i32
    %dma_start3A_99 = tpu.memref_slice %arg6[%dma_start3A_98] : memref<13312xi32, #tpu.memory_space<vmem>> -> memref<512xi32, #tpu.memory_space<vmem>>
    %dma_start3A_100 = tpu.memref_slice %arg2[%add3A_94] : memref<425984xi32, #tpu.memory_space<hbm>> -> memref<512xi32, #tpu.memory_space<hbm>>
    tpu.enqueue_dma source(%dma_start3A_100 : memref<512xi32, #tpu.memory_space<hbm>>) target(%dma_start3A_99 : memref<512xi32, #tpu.memory_space<vmem>>) target_semaphore(%arg13 : memref<!tpu.dma_semaphore, #tpu.memory_space<semaphore_mem>>)
    %mul3A_101 = arith.constant 512 : i32
    %mul3A_102 = arith.muli %add3A, %mul3A_101 : i32
    %add3A_103 = arith.constant 147456 : i32
    %add3A_104 = arith.addi %add3A_103, %mul3A_102 : i32
    %dma_start3A_105 = arith.constant 4608 : i32
    %dma_start3A_106 = tpu.memref_slice %arg6[%dma_start3A_105] : memref<13312xi32, #tpu.memory_space<vmem>> -> memref<512xi32, #tpu.memory_space<vmem>>
    %dma_start3A_107 = tpu.memref_slice %arg2[%add3A_104] : memref<425984xi32, #tpu.memory_space<hbm>> -> memref<512xi32, #tpu.memory_space<hbm>>
    %dma_start3A_108 = arith.constant 4608 : i32
    %dma_start3A_109 = tpu.memref_slice %arg6[%dma_start3A_108] : memref<13312xi32, #tpu.memory_space<vmem>> -> memref<512xi32, #tpu.memory_space<vmem>>
    %dma_start3A_110 = tpu.memref_slice %arg2[%add3A_104] : memref<425984xi32, #tpu.memory_space<hbm>> -> memref<512xi32, #tpu.memory_space<hbm>>
    tpu.enqueue_dma source(%dma_start3A_110 : memref<512xi32, #tpu.memory_space<hbm>>) target(%dma_start3A_109 : memref<512xi32, #tpu.memory_space<vmem>>) target_semaphore(%arg13 : memref<!tpu.dma_semaphore, #tpu.memory_space<semaphore_mem>>)
    %mul3A_111 = arith.constant 512 : i32
    %mul3A_112 = arith.muli %add3A, %mul3A_111 : i32
    %add3A_113 = arith.constant 163840 : i32
    %add3A_114 = arith.addi %add3A_113, %mul3A_112 : i32
    %dma_start3A_115 = arith.constant 5120 : i32
    %dma_start3A_116 = tpu.memref_slice %arg6[%dma_start3A_115] : memref<13312xi32, #tpu.memory_space<vmem>> -> memref<512xi32, #tpu.memory_space<vmem>>
    %dma_start3A_117 = tpu.memref_slice %arg2[%add3A_114] : memref<425984xi32, #tpu.memory_space<hbm>> -> memref<512xi32, #tpu.memory_space<hbm>>
    %dma_start3A_118 = arith.constant 5120 : i32
    %dma_start3A_119 = tpu.memref_slice %arg6[%dma_start3A_118] : memref<13312xi32, #tpu.memory_space<vmem>> -> memref<512xi32, #tpu.memory_space<vmem>>
    %dma_start3A_120 = tpu.memref_slice %arg2[%add3A_114] : memref<425984xi32, #tpu.memory_space<hbm>> -> memref<512xi32, #tpu.memory_space<hbm>>
    tpu.enqueue_dma source(%dma_start3A_120 : memref<512xi32, #tpu.memory_space<hbm>>) target(%dma_start3A_119 : memref<512xi32, #tpu.memory_space<vmem>>) target_semaphore(%arg13 : memref<!tpu.dma_semaphore, #tpu.memory_space<semaphore_mem>>)
    %mul3A_121 = arith.constant 512 : i32
    %mul3A_122 = arith.muli %add3A, %mul3A_121 : i32
    %add3A_123 = arith.constant 180224 : i32
    %add3A_124 = arith.addi %add3A_123, %mul3A_122 : i32
    %dma_start3A_125 = arith.constant 5632 : i32
    %dma_start3A_126 = tpu.memref_slice %arg6[%dma_start3A_125] : memref<13312xi32, #tpu.memory_space<vmem>> -> memref<512xi32, #tpu.memory_space<vmem>>
    %dma_start3A_127 = tpu.memref_slice %arg2[%add3A_124] : memref<425984xi32, #tpu.memory_space<hbm>> -> memref<512xi32, #tpu.memory_space<hbm>>
    %dma_start3A_128 = arith.constant 5632 : i32
    %dma_start3A_129 = tpu.memref_slice %arg6[%dma_start3A_128] : memref<13312xi32, #tpu.memory_space<vmem>> -> memref<512xi32, #tpu.memory_space<vmem>>
    %dma_start3A_130 = tpu.memref_slice %arg2[%add3A_124] : memref<425984xi32, #tpu.memory_space<hbm>> -> memref<512xi32, #tpu.memory_space<hbm>>
    tpu.enqueue_dma source(%dma_start3A_130 : memref<512xi32, #tpu.memory_space<hbm>>) target(%dma_start3A_129 : memref<512xi32, #tpu.memory_space<vmem>>) target_semaphore(%arg13 : memref<!tpu.dma_semaphore, #tpu.memory_space<semaphore_mem>>)
    %mul3A_131 = arith.constant 512 : i32
    %mul3A_132 = arith.muli %add3A, %mul3A_131 : i32
    %add3A_133 = arith.constant 196608 : i32
    %add3A_134 = arith.addi %add3A_133, %mul3A_132 : i32
    %dma_start3A_135 = arith.constant 6144 : i32
    %dma_start3A_136 = tpu.memref_slice %arg6[%dma_start3A_135] : memref<13312xi32, #tpu.memory_space<vmem>> -> memref<512xi32, #tpu.memory_space<vmem>>
    %dma_start3A_137 = tpu.memref_slice %arg2[%add3A_134] : memref<425984xi32, #tpu.memory_space<hbm>> -> memref<512xi32, #tpu.memory_space<hbm>>
    %dma_start3A_138 = arith.constant 6144 : i32
    %dma_start3A_139 = tpu.memref_slice %arg6[%dma_start3A_138] : memref<13312xi32, #tpu.memory_space<vmem>> -> memref<512xi32, #tpu.memory_space<vmem>>
    %dma_start3A_140 = tpu.memref_slice %arg2[%add3A_134] : memref<425984xi32, #tpu.memory_space<hbm>> -> memref<512xi32, #tpu.memory_space<hbm>>
    tpu.enqueue_dma source(%dma_start3A_140 : memref<512xi32, #tpu.memory_space<hbm>>) target(%dma_start3A_139 : memref<512xi32, #tpu.memory_space<vmem>>) target_semaphore(%arg13 : memref<!tpu.dma_semaphore, #tpu.memory_space<semaphore_mem>>)
    %mul3A_141 = arith.constant 512 : i32
    %mul3A_142 = arith.muli %add3A, %mul3A_141 : i32
    %add3A_143 = arith.constant 212992 : i32
    %add3A_144 = arith.addi %add3A_143, %mul3A_142 : i32
    %dma_start3A_145 = arith.constant 6656 : i32
    %dma_start3A_146 = tpu.memref_slice %arg6[%dma_start3A_145] : memref<13312xi32, #tpu.memory_space<vmem>> -> memref<512xi32, #tpu.memory_space<vmem>>
    %dma_start3A_147 = tpu.memref_slice %arg2[%add3A_144] : memref<425984xi32, #tpu.memory_space<hbm>> -> memref<512xi32, #tpu.memory_space<hbm>>
    %dma_start3A_148 = arith.constant 6656 : i32
    %dma_start3A_149 = tpu.memref_slice %arg6[%dma_start3A_148] : memref<13312xi32, #tpu.memory_space<vmem>> -> memref<512xi32, #tpu.memory_space<vmem>>
    %dma_start3A_150 = tpu.memref_slice %arg2[%add3A_144] : memref<425984xi32, #tpu.memory_space<hbm>> -> memref<512xi32, #tpu.memory_space<hbm>>
    tpu.enqueue_dma source(%dma_start3A_150 : memref<512xi32, #tpu.memory_space<hbm>>) target(%dma_start3A_149 : memref<512xi32, #tpu.memory_space<vmem>>) target_semaphore(%arg13 : memref<!tpu.dma_semaphore, #tpu.memory_space<semaphore_mem>>)
    %mul3A_151 = arith.constant 512 : i32
    %mul3A_152 = arith.muli %add3A, %mul3A_151 : i32
    %add3A_153 = arith.constant 229376 : i32
    %add3A_154 = arith.addi %add3A_153, %mul3A_152 : i32
    %dma_start3A_155 = arith.constant 7168 : i32
    %dma_start3A_156 = tpu.memref_slice %arg6[%dma_start3A_155] : memref<13312xi32, #tpu.memory_space<vmem>> -> memref<512xi32, #tpu.memory_space<vmem>>
    %dma_start3A_157 = tpu.memref_slice %arg2[%add3A_154] : memref<425984xi32, #tpu.memory_space<hbm>> -> memref<512xi32, #tpu.memory_space<hbm>>
    %dma_start3A_158 = arith.constant 7168 : i32
    %dma_start3A_159 = tpu.memref_slice %arg6[%dma_start3A_158] : memref<13312xi32, #tpu.memory_space<vmem>> -> memref<512xi32, #tpu.memory_space<vmem>>
    %dma_start3A_160 = tpu.memref_slice %arg2[%add3A_154] : memref<425984xi32, #tpu.memory_space<hbm>> -> memref<512xi32, #tpu.memory_space<hbm>>
    tpu.enqueue_dma source(%dma_start3A_160 : memref<512xi32, #tpu.memory_space<hbm>>) target(%dma_start3A_159 : memref<512xi32, #tpu.memory_space<vmem>>) target_semaphore(%arg13 : memref<!tpu.dma_semaphore, #tpu.memory_space<semaphore_mem>>)
    %mul3A_161 = arith.constant 512 : i32
    %mul3A_162 = arith.muli %add3A, %mul3A_161 : i32
    %add3A_163 = arith.constant 245760 : i32
    %add3A_164 = arith.addi %add3A_163, %mul3A_162 : i32
    %dma_start3A_165 = arith.constant 7680 : i32
    %dma_start3A_166 = tpu.memref_slice %arg6[%dma_start3A_165] : memref<13312xi32, #tpu.memory_space<vmem>> -> memref<512xi32, #tpu.memory_space<vmem>>
    %dma_start3A_167 = tpu.memref_slice %arg2[%add3A_164] : memref<425984xi32, #tpu.memory_space<hbm>> -> memref<512xi32, #tpu.memory_space<hbm>>
    %dma_start3A_168 = arith.constant 7680 : i32
    %dma_start3A_169 = tpu.memref_slice %arg6[%dma_start3A_168] : memref<13312xi32, #tpu.memory_space<vmem>> -> memref<512xi32, #tpu.memory_space<vmem>>
    %dma_start3A_170 = tpu.memref_slice %arg2[%add3A_164] : memref<425984xi32, #tpu.memory_space<hbm>> -> memref<512xi32, #tpu.memory_space<hbm>>
    tpu.enqueue_dma source(%dma_start3A_170 : memref<512xi32, #tpu.memory_space<hbm>>) target(%dma_start3A_169 : memref<512xi32, #tpu.memory_space<vmem>>) target_semaphore(%arg13 : memref<!tpu.dma_semaphore, #tpu.memory_space<semaphore_mem>>)
    %mul3A_171 = arith.constant 512 : i32
    %mul3A_172 = arith.muli %add3A, %mul3A_171 : i32
    %add3A_173 = arith.constant 262144 : i32
    %add3A_174 = arith.addi %add3A_173, %mul3A_172 : i32
    %dma_start3A_175 = arith.constant 8192 : i32
    %dma_start3A_176 = tpu.memref_slice %arg6[%dma_start3A_175] : memref<13312xi32, #tpu.memory_space<vmem>> -> memref<512xi32, #tpu.memory_space<vmem>>
    %dma_start3A_177 = tpu.memref_slice %arg2[%add3A_174] : memref<425984xi32, #tpu.memory_space<hbm>> -> memref<512xi32, #tpu.memory_space<hbm>>
    %dma_start3A_178 = arith.constant 8192 : i32
    %dma_start3A_179 = tpu.memref_slice %arg6[%dma_start3A_178] : memref<13312xi32, #tpu.memory_space<vmem>> -> memref<512xi32, #tpu.memory_space<vmem>>
    %dma_start3A_180 = tpu.memref_slice %arg2[%add3A_174] : memref<425984xi32, #tpu.memory_space<hbm>> -> memref<512xi32, #tpu.memory_space<hbm>>
    tpu.enqueue_dma source(%dma_start3A_180 : memref<512xi32, #tpu.memory_space<hbm>>) target(%dma_start3A_179 : memref<512xi32, #tpu.memory_space<vmem>>) target_semaphore(%arg13 : memref<!tpu.dma_semaphore, #tpu.memory_space<semaphore_mem>>)
    %mul3A_181 = arith.constant 512 : i32
    %mul3A_182 = arith.muli %add3A, %mul3A_181 : i32
    %add3A_183 = arith.constant 278528 : i32
    %add3A_184 = arith.addi %add3A_183, %mul3A_182 : i32
    %dma_start3A_185 = arith.constant 8704 : i32
    %dma_start3A_186 = tpu.memref_slice %arg6[%dma_start3A_185] : memref<13312xi32, #tpu.memory_space<vmem>> -> memref<512xi32, #tpu.memory_space<vmem>>
    %dma_start3A_187 = tpu.memref_slice %arg2[%add3A_184] : memref<425984xi32, #tpu.memory_space<hbm>> -> memref<512xi32, #tpu.memory_space<hbm>>
    %dma_start3A_188 = arith.constant 8704 : i32
    %dma_start3A_189 = tpu.memref_slice %arg6[%dma_start3A_188] : memref<13312xi32, #tpu.memory_space<vmem>> -> memref<512xi32, #tpu.memory_space<vmem>>
    %dma_start3A_190 = tpu.memref_slice %arg2[%add3A_184] : memref<425984xi32, #tpu.memory_space<hbm>> -> memref<512xi32, #tpu.memory_space<hbm>>
    tpu.enqueue_dma source(%dma_start3A_190 : memref<512xi32, #tpu.memory_space<hbm>>) target(%dma_start3A_189 : memref<512xi32, #tpu.memory_space<vmem>>) target_semaphore(%arg13 : memref<!tpu.dma_semaphore, #tpu.memory_space<semaphore_mem>>)
    %mul3A_191 = arith.constant 512 : i32
    %mul3A_192 = arith.muli %add3A, %mul3A_191 : i32
    %add3A_193 = arith.constant 294912 : i32
    %add3A_194 = arith.addi %add3A_193, %mul3A_192 : i32
    %dma_start3A_195 = arith.constant 9216 : i32
    %dma_start3A_196 = tpu.memref_slice %arg6[%dma_start3A_195] : memref<13312xi32, #tpu.memory_space<vmem>> -> memref<512xi32, #tpu.memory_space<vmem>>
    %dma_start3A_197 = tpu.memref_slice %arg2[%add3A_194] : memref<425984xi32, #tpu.memory_space<hbm>> -> memref<512xi32, #tpu.memory_space<hbm>>
    %dma_start3A_198 = arith.constant 9216 : i32
    %dma_start3A_199 = tpu.memref_slice %arg6[%dma_start3A_198] : memref<13312xi32, #tpu.memory_space<vmem>> -> memref<512xi32, #tpu.memory_space<vmem>>
    %dma_start3A_200 = tpu.memref_slice %arg2[%add3A_194] : memref<425984xi32, #tpu.memory_space<hbm>> -> memref<512xi32, #tpu.memory_space<hbm>>
    tpu.enqueue_dma source(%dma_start3A_200 : memref<512xi32, #tpu.memory_space<hbm>>) target(%dma_start3A_199 : memref<512xi32, #tpu.memory_space<vmem>>) target_semaphore(%arg13 : memref<!tpu.dma_semaphore, #tpu.memory_space<semaphore_mem>>)
    %mul3A_201 = arith.constant 512 : i32
    %mul3A_202 = arith.muli %add3A, %mul3A_201 : i32
    %add3A_203 = arith.constant 311296 : i32
    %add3A_204 = arith.addi %add3A_203, %mul3A_202 : i32
    %dma_start3A_205 = arith.constant 9728 : i32
    %dma_start3A_206 = tpu.memref_slice %arg6[%dma_start3A_205] : memref<13312xi32, #tpu.memory_space<vmem>> -> memref<512xi32, #tpu.memory_space<vmem>>
    %dma_start3A_207 = tpu.memref_slice %arg2[%add3A_204] : memref<425984xi32, #tpu.memory_space<hbm>> -> memref<512xi32, #tpu.memory_space<hbm>>
    %dma_start3A_208 = arith.constant 9728 : i32
    %dma_start3A_209 = tpu.memref_slice %arg6[%dma_start3A_208] : memref<13312xi32, #tpu.memory_space<vmem>> -> memref<512xi32, #tpu.memory_space<vmem>>
    %dma_start3A_210 = tpu.memref_slice %arg2[%add3A_204] : memref<425984xi32, #tpu.memory_space<hbm>> -> memref<512xi32, #tpu.memory_space<hbm>>
    tpu.enqueue_dma source(%dma_start3A_210 : memref<512xi32, #tpu.memory_space<hbm>>) target(%dma_start3A_209 : memref<512xi32, #tpu.memory_space<vmem>>) target_semaphore(%arg13 : memref<!tpu.dma_semaphore, #tpu.memory_space<semaphore_mem>>)
    %mul3A_211 = arith.constant 512 : i32
    %mul3A_212 = arith.muli %add3A, %mul3A_211 : i32
    %add3A_213 = arith.constant 327680 : i32
    %add3A_214 = arith.addi %add3A_213, %mul3A_212 : i32
    %dma_start3A_215 = arith.constant 10240 : i32
    %dma_start3A_216 = tpu.memref_slice %arg6[%dma_start3A_215] : memref<13312xi32, #tpu.memory_space<vmem>> -> memref<512xi32, #tpu.memory_space<vmem>>
    %dma_start3A_217 = tpu.memref_slice %arg2[%add3A_214] : memref<425984xi32, #tpu.memory_space<hbm>> -> memref<512xi32, #tpu.memory_space<hbm>>
    %dma_start3A_218 = arith.constant 10240 : i32
    %dma_start3A_219 = tpu.memref_slice %arg6[%dma_start3A_218] : memref<13312xi32, #tpu.memory_space<vmem>> -> memref<512xi32, #tpu.memory_space<vmem>>
    %dma_start3A_220 = tpu.memref_slice %arg2[%add3A_214] : memref<425984xi32, #tpu.memory_space<hbm>> -> memref<512xi32, #tpu.memory_space<hbm>>
    tpu.enqueue_dma source(%dma_start3A_220 : memref<512xi32, #tpu.memory_space<hbm>>) target(%dma_start3A_219 : memref<512xi32, #tpu.memory_space<vmem>>) target_semaphore(%arg13 : memref<!tpu.dma_semaphore, #tpu.memory_space<semaphore_mem>>)
    %mul3A_221 = arith.constant 512 : i32
    %mul3A_222 = arith.muli %add3A, %mul3A_221 : i32
    %add3A_223 = arith.constant 344064 : i32
    %add3A_224 = arith.addi %add3A_223, %mul3A_222 : i32
    %dma_start3A_225 = arith.constant 10752 : i32
    %dma_start3A_226 = tpu.memref_slice %arg6[%dma_start3A_225] : memref<13312xi32, #tpu.memory_space<vmem>> -> memref<512xi32, #tpu.memory_space<vmem>>
    %dma_start3A_227 = tpu.memref_slice %arg2[%add3A_224] : memref<425984xi32, #tpu.memory_space<hbm>> -> memref<512xi32, #tpu.memory_space<hbm>>
    %dma_start3A_228 = arith.constant 10752 : i32
    %dma_start3A_229 = tpu.memref_slice %arg6[%dma_start3A_228] : memref<13312xi32, #tpu.memory_space<vmem>> -> memref<512xi32, #tpu.memory_space<vmem>>
    %dma_start3A_230 = tpu.memref_slice %arg2[%add3A_224] : memref<425984xi32, #tpu.memory_space<hbm>> -> memref<512xi32, #tpu.memory_space<hbm>>
    tpu.enqueue_dma source(%dma_start3A_230 : memref<512xi32, #tpu.memory_space<hbm>>) target(%dma_start3A_229 : memref<512xi32, #tpu.memory_space<vmem>>) target_semaphore(%arg13 : memref<!tpu.dma_semaphore, #tpu.memory_space<semaphore_mem>>)
    %mul3A_231 = arith.constant 512 : i32
    %mul3A_232 = arith.muli %add3A, %mul3A_231 : i32
    %add3A_233 = arith.constant 360448 : i32
    %add3A_234 = arith.addi %add3A_233, %mul3A_232 : i32
    %dma_start3A_235 = arith.constant 11264 : i32
    %dma_start3A_236 = tpu.memref_slice %arg6[%dma_start3A_235] : memref<13312xi32, #tpu.memory_space<vmem>> -> memref<512xi32, #tpu.memory_space<vmem>>
    %dma_start3A_237 = tpu.memref_slice %arg2[%add3A_234] : memref<425984xi32, #tpu.memory_space<hbm>> -> memref<512xi32, #tpu.memory_space<hbm>>
    %dma_start3A_238 = arith.constant 11264 : i32
    %dma_start3A_239 = tpu.memref_slice %arg6[%dma_start3A_238] : memref<13312xi32, #tpu.memory_space<vmem>> -> memref<512xi32, #tpu.memory_space<vmem>>
    %dma_start3A_240 = tpu.memref_slice %arg2[%add3A_234] : memref<425984xi32, #tpu.memory_space<hbm>> -> memref<512xi32, #tpu.memory_space<hbm>>
    tpu.enqueue_dma source(%dma_start3A_240 : memref<512xi32, #tpu.memory_space<hbm>>) target(%dma_start3A_239 : memref<512xi32, #tpu.memory_space<vmem>>) target_semaphore(%arg13 : memref<!tpu.dma_semaphore, #tpu.memory_space<semaphore_mem>>)
    %mul3A_241 = arith.constant 512 : i32
    %mul3A_242 = arith.muli %add3A, %mul3A_241 : i32
    %add3A_243 = arith.constant 376832 : i32
    %add3A_244 = arith.addi %add3A_243, %mul3A_242 : i32
    %dma_start3A_245 = arith.constant 11776 : i32
    %dma_start3A_246 = tpu.memref_slice %arg6[%dma_start3A_245] : memref<13312xi32, #tpu.memory_space<vmem>> -> memref<512xi32, #tpu.memory_space<vmem>>
    %dma_start3A_247 = tpu.memref_slice %arg2[%add3A_244] : memref<425984xi32, #tpu.memory_space<hbm>> -> memref<512xi32, #tpu.memory_space<hbm>>
    %dma_start3A_248 = arith.constant 11776 : i32
    %dma_start3A_249 = tpu.memref_slice %arg6[%dma_start3A_248] : memref<13312xi32, #tpu.memory_space<vmem>> -> memref<512xi32, #tpu.memory_space<vmem>>
    %dma_start3A_250 = tpu.memref_slice %arg2[%add3A_244] : memref<425984xi32, #tpu.memory_space<hbm>> -> memref<512xi32, #tpu.memory_space<hbm>>
    tpu.enqueue_dma source(%dma_start3A_250 : memref<512xi32, #tpu.memory_space<hbm>>) target(%dma_start3A_249 : memref<512xi32, #tpu.memory_space<vmem>>) target_semaphore(%arg13 : memref<!tpu.dma_semaphore, #tpu.memory_space<semaphore_mem>>)
    %mul3A_251 = arith.constant 512 : i32
    %mul3A_252 = arith.muli %add3A, %mul3A_251 : i32
    %add3A_253 = arith.constant 393216 : i32
    %add3A_254 = arith.addi %add3A_253, %mul3A_252 : i32
    %dma_start3A_255 = arith.constant 12288 : i32
    %dma_start3A_256 = tpu.memref_slice %arg6[%dma_start3A_255] : memref<13312xi32, #tpu.memory_space<vmem>> -> memref<512xi32, #tpu.memory_space<vmem>>
    %dma_start3A_257 = tpu.memref_slice %arg2[%add3A_254] : memref<425984xi32, #tpu.memory_space<hbm>> -> memref<512xi32, #tpu.memory_space<hbm>>
    %dma_start3A_258 = arith.constant 12288 : i32
    %dma_start3A_259 = tpu.memref_slice %arg6[%dma_start3A_258] : memref<13312xi32, #tpu.memory_space<vmem>> -> memref<512xi32, #tpu.memory_space<vmem>>
    %dma_start3A_260 = tpu.memref_slice %arg2[%add3A_254] : memref<425984xi32, #tpu.memory_space<hbm>> -> memref<512xi32, #tpu.memory_space<hbm>>
    tpu.enqueue_dma source(%dma_start3A_260 : memref<512xi32, #tpu.memory_space<hbm>>) target(%dma_start3A_259 : memref<512xi32, #tpu.memory_space<vmem>>) target_semaphore(%arg13 : memref<!tpu.dma_semaphore, #tpu.memory_space<semaphore_mem>>)
    %mul3A_261 = arith.constant 512 : i32
    %mul3A_262 = arith.muli %add3A, %mul3A_261 : i32
    %add3A_263 = arith.constant 409600 : i32
    %add3A_264 = arith.addi %add3A_263, %mul3A_262 : i32
    %dma_start3A_265 = arith.constant 12800 : i32
    %dma_start3A_266 = tpu.memref_slice %arg6[%dma_start3A_265] : memref<13312xi32, #tpu.memory_space<vmem>> -> memref<512xi32, #tpu.memory_space<vmem>>
    %dma_start3A_267 = tpu.memref_slice %arg2[%add3A_264] : memref<425984xi32, #tpu.memory_space<hbm>> -> memref<512xi32, #tpu.memory_space<hbm>>
    %dma_start3A_268 = arith.constant 12800 : i32
    %dma_start3A_269 = tpu.memref_slice %arg6[%dma_start3A_268] : memref<13312xi32, #tpu.memory_space<vmem>> -> memref<512xi32, #tpu.memory_space<vmem>>
    %dma_start3A_270 = tpu.memref_slice %arg2[%add3A_264] : memref<425984xi32, #tpu.memory_space<hbm>> -> memref<512xi32, #tpu.memory_space<hbm>>
    tpu.enqueue_dma source(%dma_start3A_270 : memref<512xi32, #tpu.memory_space<hbm>>) target(%dma_start3A_269 : memref<512xi32, #tpu.memory_space<vmem>>) target_semaphore(%arg13 : memref<!tpu.dma_semaphore, #tpu.memory_space<semaphore_mem>>)
    "tpu.region"() ({
      %run_scoped3A = tpu.sem_alloc : memref<!tpu.dma_semaphore, #tpu.memory_space<semaphore_mem>>
      tpu.enqueue_dma source(%arg4 : memref<16xf32, #tpu.memory_space<hbm>>) target(%arg8 : memref<16xf32, #tpu.memory_space<vmem>>) target_semaphore(%run_scoped3A : memref<!tpu.dma_semaphore, #tpu.memory_space<semaphore_mem>>)
      tpu.wait_dma2 semaphore(%run_scoped3A : memref<!tpu.dma_semaphore, #tpu.memory_space<semaphore_mem>>) src(%arg4 : memref<16xf32, #tpu.memory_space<hbm>>) dst(%arg8 : memref<16xf32, #tpu.memory_space<vmem>>)
      tpu.yield
    }) : () -> ()
    %add3A_271 = arith.constant 0 : i32
    %add3A_272 = arith.addi %mul3A_2, %add3A_271 : i32
    %dma_wait3A = arith.constant 0 : i32
    %dma_wait3A_273 = arith.constant 0 : i32
    %dma_wait3A_274 = tpu.memref_slice %arg3[%dma_wait3A, %dma_wait3A_273] : memref<1x1000000xf32, #tpu.memory_space<hbm>> -> memref<1x1000000xf32, #tpu.memory_space<hbm>>
    %dma_wait3A_275 = tpu.memref_squeeze %dma_wait3A_274 : memref<1x1000000xf32, #tpu.memory_space<hbm>> -> memref<1000000xf32, #tpu.memory_space<hbm>>
    %dma_wait3A_276 = tpu.memref_slice %dma_wait3A_275[%add3A_272] : memref<1000000xf32, #tpu.memory_space<hbm>> -> memref<15624xf32, #tpu.memory_space<hbm>>
    %dma_wait3A_277 = arith.constant 0 : i32
    %dma_wait3A_278 = tpu.memref_slice %arg3[%dma_wait3A, %dma_wait3A_277] : memref<1x1000000xf32, #tpu.memory_space<hbm>> -> memref<1x1000000xf32, #tpu.memory_space<hbm>>
    %dma_wait3A_279 = tpu.memref_squeeze %dma_wait3A_278 : memref<1x1000000xf32, #tpu.memory_space<hbm>> -> memref<1000000xf32, #tpu.memory_space<hbm>>
    %dma_wait3A_280 = tpu.memref_slice %dma_wait3A_279[%add3A_272] : memref<1000000xf32, #tpu.memory_space<hbm>> -> memref<15624xf32, #tpu.memory_space<hbm>>
    tpu.wait_dma2 semaphore(%arg14 : memref<!tpu.dma_semaphore, #tpu.memory_space<semaphore_mem>>) src(%dma_wait3A_280 : memref<15624xf32, #tpu.memory_space<hbm>>) dst(%arg10 : memref<15624xf32, #tpu.memory_space<vmem>>)
    %add3A_281 = arith.constant 15624 : i32
    %add3A_282 = arith.addi %add3A_272, %add3A_281 : i32
    %dma_start3A_283 = arith.constant 0 : i32
    %dma_start3A_284 = arith.constant 0 : i32
    %dma_start3A_285 = tpu.memref_slice %arg3[%dma_start3A_283, %dma_start3A_284] : memref<1x1000000xf32, #tpu.memory_space<hbm>> -> memref<1x1000000xf32, #tpu.memory_space<hbm>>
    %dma_start3A_286 = tpu.memref_squeeze %dma_start3A_285 : memref<1x1000000xf32, #tpu.memory_space<hbm>> -> memref<1000000xf32, #tpu.memory_space<hbm>>
    %dma_start3A_287 = tpu.memref_slice %dma_start3A_286[%add3A_282] : memref<1000000xf32, #tpu.memory_space<hbm>> -> memref<15624xf32, #tpu.memory_space<hbm>>
    %dma_start3A_288 = arith.constant 0 : i32
    %dma_start3A_289 = tpu.memref_slice %arg3[%dma_start3A_283, %dma_start3A_288] : memref<1x1000000xf32, #tpu.memory_space<hbm>> -> memref<1x1000000xf32, #tpu.memory_space<hbm>>
    %dma_start3A_290 = tpu.memref_squeeze %dma_start3A_289 : memref<1x1000000xf32, #tpu.memory_space<hbm>> -> memref<1000000xf32, #tpu.memory_space<hbm>>
    %dma_start3A_291 = tpu.memref_slice %dma_start3A_290[%add3A_282] : memref<1000000xf32, #tpu.memory_space<hbm>> -> memref<15624xf32, #tpu.memory_space<hbm>>
    tpu.enqueue_dma source(%dma_start3A_291 : memref<15624xf32, #tpu.memory_space<hbm>>) target(%arg11 : memref<15624xf32, #tpu.memory_space<vmem>>) target_semaphore(%arg14 : memref<!tpu.dma_semaphore, #tpu.memory_space<semaphore_mem>>)
    "tpu.region"() ({
      %run_scoped3A = tpu.sem_alloc : memref<!tpu.dma_semaphore, #tpu.memory_space<semaphore_mem>>
      %dma_start3A_623 = tpu.memref_slice %arg12[%add3A_272] : memref<1000000xf32, #tpu.memory_space<vmem_shared>> -> memref<15624xf32, #tpu.memory_space<vmem_shared>>
      %dma_start3A_624 = tpu.memref_slice %arg12[%add3A_272] : memref<1000000xf32, #tpu.memory_space<vmem_shared>> -> memref<15624xf32, #tpu.memory_space<vmem_shared>>
      tpu.enqueue_dma source(%arg10 : memref<15624xf32, #tpu.memory_space<vmem>>) target(%dma_start3A_624 : memref<15624xf32, #tpu.memory_space<vmem_shared>>) target_semaphore(%run_scoped3A : memref<!tpu.dma_semaphore, #tpu.memory_space<semaphore_mem>>)
      %dma_wait3A_625 = tpu.memref_slice %arg12[%add3A_272] : memref<1000000xf32, #tpu.memory_space<vmem_shared>> -> memref<15624xf32, #tpu.memory_space<vmem_shared>>
      %dma_wait3A_626 = tpu.memref_slice %arg12[%add3A_272] : memref<1000000xf32, #tpu.memory_space<vmem_shared>> -> memref<15624xf32, #tpu.memory_space<vmem_shared>>
      tpu.wait_dma2 semaphore(%run_scoped3A : memref<!tpu.dma_semaphore, #tpu.memory_space<semaphore_mem>>) src(%arg10 : memref<15624xf32, #tpu.memory_space<vmem>>) dst(%dma_wait3A_626 : memref<15624xf32, #tpu.memory_space<vmem_shared>>)
      tpu.yield
    }) : () -> ()
    %add3A_292 = arith.constant 15624 : i32
    %add3A_293 = arith.addi %mul3A_2, %add3A_292 : i32
    %dma_wait3A_294 = arith.constant 0 : i32
    %dma_wait3A_295 = arith.constant 0 : i32
    %dma_wait3A_296 = tpu.memref_slice %arg3[%dma_wait3A_294, %dma_wait3A_295] : memref<1x1000000xf32, #tpu.memory_space<hbm>> -> memref<1x1000000xf32, #tpu.memory_space<hbm>>
    %dma_wait3A_297 = tpu.memref_squeeze %dma_wait3A_296 : memref<1x1000000xf32, #tpu.memory_space<hbm>> -> memref<1000000xf32, #tpu.memory_space<hbm>>
    %dma_wait3A_298 = tpu.memref_slice %dma_wait3A_297[%add3A_293] : memref<1000000xf32, #tpu.memory_space<hbm>> -> memref<15624xf32, #tpu.memory_space<hbm>>
    %dma_wait3A_299 = arith.constant 0 : i32
    %dma_wait3A_300 = tpu.memref_slice %arg3[%dma_wait3A_294, %dma_wait3A_299] : memref<1x1000000xf32, #tpu.memory_space<hbm>> -> memref<1x1000000xf32, #tpu.memory_space<hbm>>
    %dma_wait3A_301 = tpu.memref_squeeze %dma_wait3A_300 : memref<1x1000000xf32, #tpu.memory_space<hbm>> -> memref<1000000xf32, #tpu.memory_space<hbm>>
    %dma_wait3A_302 = tpu.memref_slice %dma_wait3A_301[%add3A_293] : memref<1000000xf32, #tpu.memory_space<hbm>> -> memref<15624xf32, #tpu.memory_space<hbm>>
    tpu.wait_dma2 semaphore(%arg14 : memref<!tpu.dma_semaphore, #tpu.memory_space<semaphore_mem>>) src(%dma_wait3A_302 : memref<15624xf32, #tpu.memory_space<hbm>>) dst(%arg11 : memref<15624xf32, #tpu.memory_space<vmem>>)
    %add3A_303 = arith.constant 15624 : i32
    %add3A_304 = arith.addi %add3A_293, %add3A_303 : i32
    %dma_start3A_305 = arith.constant 0 : i32
    %dma_start3A_306 = arith.constant 0 : i32
    %dma_start3A_307 = tpu.memref_slice %arg3[%dma_start3A_305, %dma_start3A_306] : memref<1x1000000xf32, #tpu.memory_space<hbm>> -> memref<1x1000000xf32, #tpu.memory_space<hbm>>
    %dma_start3A_308 = tpu.memref_squeeze %dma_start3A_307 : memref<1x1000000xf32, #tpu.memory_space<hbm>> -> memref<1000000xf32, #tpu.memory_space<hbm>>
    %dma_start3A_309 = tpu.memref_slice %dma_start3A_308[%add3A_304] : memref<1000000xf32, #tpu.memory_space<hbm>> -> memref<15624xf32, #tpu.memory_space<hbm>>
    %dma_start3A_310 = arith.constant 0 : i32
    %dma_start3A_311 = tpu.memref_slice %arg3[%dma_start3A_305, %dma_start3A_310] : memref<1x1000000xf32, #tpu.memory_space<hbm>> -> memref<1x1000000xf32, #tpu.memory_space<hbm>>
    %dma_start3A_312 = tpu.memref_squeeze %dma_start3A_311 : memref<1x1000000xf32, #tpu.memory_space<hbm>> -> memref<1000000xf32, #tpu.memory_space<hbm>>
    %dma_start3A_313 = tpu.memref_slice %dma_start3A_312[%add3A_304] : memref<1000000xf32, #tpu.memory_space<hbm>> -> memref<15624xf32, #tpu.memory_space<hbm>>
    tpu.enqueue_dma source(%dma_start3A_313 : memref<15624xf32, #tpu.memory_space<hbm>>) target(%arg10 : memref<15624xf32, #tpu.memory_space<vmem>>) target_semaphore(%arg14 : memref<!tpu.dma_semaphore, #tpu.memory_space<semaphore_mem>>)
    "tpu.region"() ({
      %run_scoped3A = tpu.sem_alloc : memref<!tpu.dma_semaphore, #tpu.memory_space<semaphore_mem>>
      %dma_start3A_623 = tpu.memref_slice %arg12[%add3A_293] : memref<1000000xf32, #tpu.memory_space<vmem_shared>> -> memref<15624xf32, #tpu.memory_space<vmem_shared>>
      %dma_start3A_624 = tpu.memref_slice %arg12[%add3A_293] : memref<1000000xf32, #tpu.memory_space<vmem_shared>> -> memref<15624xf32, #tpu.memory_space<vmem_shared>>
      tpu.enqueue_dma source(%arg11 : memref<15624xf32, #tpu.memory_space<vmem>>) target(%dma_start3A_624 : memref<15624xf32, #tpu.memory_space<vmem_shared>>) target_semaphore(%run_scoped3A : memref<!tpu.dma_semaphore, #tpu.memory_space<semaphore_mem>>)
      %dma_wait3A_625 = tpu.memref_slice %arg12[%add3A_293] : memref<1000000xf32, #tpu.memory_space<vmem_shared>> -> memref<15624xf32, #tpu.memory_space<vmem_shared>>
      %dma_wait3A_626 = tpu.memref_slice %arg12[%add3A_293] : memref<1000000xf32, #tpu.memory_space<vmem_shared>> -> memref<15624xf32, #tpu.memory_space<vmem_shared>>
      tpu.wait_dma2 semaphore(%run_scoped3A : memref<!tpu.dma_semaphore, #tpu.memory_space<semaphore_mem>>) src(%arg11 : memref<15624xf32, #tpu.memory_space<vmem>>) dst(%dma_wait3A_626 : memref<15624xf32, #tpu.memory_space<vmem_shared>>)
      tpu.yield
    }) : () -> ()
    %add3A_314 = arith.constant 31248 : i32
    %add3A_315 = arith.addi %mul3A_2, %add3A_314 : i32
    %dma_wait3A_316 = arith.constant 0 : i32
    %dma_wait3A_317 = arith.constant 0 : i32
    %dma_wait3A_318 = tpu.memref_slice %arg3[%dma_wait3A_316, %dma_wait3A_317] : memref<1x1000000xf32, #tpu.memory_space<hbm>> -> memref<1x1000000xf32, #tpu.memory_space<hbm>>
    %dma_wait3A_319 = tpu.memref_squeeze %dma_wait3A_318 : memref<1x1000000xf32, #tpu.memory_space<hbm>> -> memref<1000000xf32, #tpu.memory_space<hbm>>
    %dma_wait3A_320 = tpu.memref_slice %dma_wait3A_319[%add3A_315] : memref<1000000xf32, #tpu.memory_space<hbm>> -> memref<15624xf32, #tpu.memory_space<hbm>>
    %dma_wait3A_321 = arith.constant 0 : i32
    %dma_wait3A_322 = tpu.memref_slice %arg3[%dma_wait3A_316, %dma_wait3A_321] : memref<1x1000000xf32, #tpu.memory_space<hbm>> -> memref<1x1000000xf32, #tpu.memory_space<hbm>>
    %dma_wait3A_323 = tpu.memref_squeeze %dma_wait3A_322 : memref<1x1000000xf32, #tpu.memory_space<hbm>> -> memref<1000000xf32, #tpu.memory_space<hbm>>
    %dma_wait3A_324 = tpu.memref_slice %dma_wait3A_323[%add3A_315] : memref<1000000xf32, #tpu.memory_space<hbm>> -> memref<15624xf32, #tpu.memory_space<hbm>>
    tpu.wait_dma2 semaphore(%arg14 : memref<!tpu.dma_semaphore, #tpu.memory_space<semaphore_mem>>) src(%dma_wait3A_324 : memref<15624xf32, #tpu.memory_space<hbm>>) dst(%arg10 : memref<15624xf32, #tpu.memory_space<vmem>>)
    %add3A_325 = arith.constant 15624 : i32
    %add3A_326 = arith.addi %add3A_315, %add3A_325 : i32
    %dma_start3A_327 = arith.constant 0 : i32
    %dma_start3A_328 = arith.constant 0 : i32
    %dma_start3A_329 = tpu.memref_slice %arg3[%dma_start3A_327, %dma_start3A_328] : memref<1x1000000xf32, #tpu.memory_space<hbm>> -> memref<1x1000000xf32, #tpu.memory_space<hbm>>
    %dma_start3A_330 = tpu.memref_squeeze %dma_start3A_329 : memref<1x1000000xf32, #tpu.memory_space<hbm>> -> memref<1000000xf32, #tpu.memory_space<hbm>>
    %dma_start3A_331 = tpu.memref_slice %dma_start3A_330[%add3A_326] : memref<1000000xf32, #tpu.memory_space<hbm>> -> memref<15624xf32, #tpu.memory_space<hbm>>
    %dma_start3A_332 = arith.constant 0 : i32
    %dma_start3A_333 = tpu.memref_slice %arg3[%dma_start3A_327, %dma_start3A_332] : memref<1x1000000xf32, #tpu.memory_space<hbm>> -> memref<1x1000000xf32, #tpu.memory_space<hbm>>
    %dma_start3A_334 = tpu.memref_squeeze %dma_start3A_333 : memref<1x1000000xf32, #tpu.memory_space<hbm>> -> memref<1000000xf32, #tpu.memory_space<hbm>>
    %dma_start3A_335 = tpu.memref_slice %dma_start3A_334[%add3A_326] : memref<1000000xf32, #tpu.memory_space<hbm>> -> memref<15624xf32, #tpu.memory_space<hbm>>
    tpu.enqueue_dma source(%dma_start3A_335 : memref<15624xf32, #tpu.memory_space<hbm>>) target(%arg11 : memref<15624xf32, #tpu.memory_space<vmem>>) target_semaphore(%arg14 : memref<!tpu.dma_semaphore, #tpu.memory_space<semaphore_mem>>)
    "tpu.region"() ({
      %run_scoped3A = tpu.sem_alloc : memref<!tpu.dma_semaphore, #tpu.memory_space<semaphore_mem>>
      %dma_start3A_623 = tpu.memref_slice %arg12[%add3A_315] : memref<1000000xf32, #tpu.memory_space<vmem_shared>> -> memref<15624xf32, #tpu.memory_space<vmem_shared>>
      %dma_start3A_624 = tpu.memref_slice %arg12[%add3A_315] : memref<1000000xf32, #tpu.memory_space<vmem_shared>> -> memref<15624xf32, #tpu.memory_space<vmem_shared>>
      tpu.enqueue_dma source(%arg10 : memref<15624xf32, #tpu.memory_space<vmem>>) target(%dma_start3A_624 : memref<15624xf32, #tpu.memory_space<vmem_shared>>) target_semaphore(%run_scoped3A : memref<!tpu.dma_semaphore, #tpu.memory_space<semaphore_mem>>)
      %dma_wait3A_625 = tpu.memref_slice %arg12[%add3A_315] : memref<1000000xf32, #tpu.memory_space<vmem_shared>> -> memref<15624xf32, #tpu.memory_space<vmem_shared>>
      %dma_wait3A_626 = tpu.memref_slice %arg12[%add3A_315] : memref<1000000xf32, #tpu.memory_space<vmem_shared>> -> memref<15624xf32, #tpu.memory_space<vmem_shared>>
      tpu.wait_dma2 semaphore(%run_scoped3A : memref<!tpu.dma_semaphore, #tpu.memory_space<semaphore_mem>>) src(%arg10 : memref<15624xf32, #tpu.memory_space<vmem>>) dst(%dma_wait3A_626 : memref<15624xf32, #tpu.memory_space<vmem_shared>>)
      tpu.yield
    }) : () -> ()
    %add3A_336 = arith.constant 46872 : i32
    %add3A_337 = arith.addi %mul3A_2, %add3A_336 : i32
    %dma_wait3A_338 = arith.constant 0 : i32
    %dma_wait3A_339 = arith.constant 0 : i32
    %dma_wait3A_340 = tpu.memref_slice %arg3[%dma_wait3A_338, %dma_wait3A_339] : memref<1x1000000xf32, #tpu.memory_space<hbm>> -> memref<1x1000000xf32, #tpu.memory_space<hbm>>
    %dma_wait3A_341 = tpu.memref_squeeze %dma_wait3A_340 : memref<1x1000000xf32, #tpu.memory_space<hbm>> -> memref<1000000xf32, #tpu.memory_space<hbm>>
    %dma_wait3A_342 = tpu.memref_slice %dma_wait3A_341[%add3A_337] : memref<1000000xf32, #tpu.memory_space<hbm>> -> memref<15624xf32, #tpu.memory_space<hbm>>
    %dma_wait3A_343 = arith.constant 0 : i32
    %dma_wait3A_344 = tpu.memref_slice %arg3[%dma_wait3A_338, %dma_wait3A_343] : memref<1x1000000xf32, #tpu.memory_space<hbm>> -> memref<1x1000000xf32, #tpu.memory_space<hbm>>
    %dma_wait3A_345 = tpu.memref_squeeze %dma_wait3A_344 : memref<1x1000000xf32, #tpu.memory_space<hbm>> -> memref<1000000xf32, #tpu.memory_space<hbm>>
    %dma_wait3A_346 = tpu.memref_slice %dma_wait3A_345[%add3A_337] : memref<1000000xf32, #tpu.memory_space<hbm>> -> memref<15624xf32, #tpu.memory_space<hbm>>
    tpu.wait_dma2 semaphore(%arg14 : memref<!tpu.dma_semaphore, #tpu.memory_space<semaphore_mem>>) src(%dma_wait3A_346 : memref<15624xf32, #tpu.memory_space<hbm>>) dst(%arg11 : memref<15624xf32, #tpu.memory_space<vmem>>)
    "tpu.region"() ({
      %run_scoped3A = tpu.sem_alloc : memref<!tpu.dma_semaphore, #tpu.memory_space<semaphore_mem>>
      %dma_start3A_623 = tpu.memref_slice %arg12[%add3A_337] : memref<1000000xf32, #tpu.memory_space<vmem_shared>> -> memref<15624xf32, #tpu.memory_space<vmem_shared>>
      %dma_start3A_624 = tpu.memref_slice %arg12[%add3A_337] : memref<1000000xf32, #tpu.memory_space<vmem_shared>> -> memref<15624xf32, #tpu.memory_space<vmem_shared>>
      tpu.enqueue_dma source(%arg11 : memref<15624xf32, #tpu.memory_space<vmem>>) target(%dma_start3A_624 : memref<15624xf32, #tpu.memory_space<vmem_shared>>) target_semaphore(%run_scoped3A : memref<!tpu.dma_semaphore, #tpu.memory_space<semaphore_mem>>)
      %dma_wait3A_625 = tpu.memref_slice %arg12[%add3A_337] : memref<1000000xf32, #tpu.memory_space<vmem_shared>> -> memref<15624xf32, #tpu.memory_space<vmem_shared>>
      %dma_wait3A_626 = tpu.memref_slice %arg12[%add3A_337] : memref<1000000xf32, #tpu.memory_space<vmem_shared>> -> memref<15624xf32, #tpu.memory_space<vmem_shared>>
      tpu.wait_dma2 semaphore(%run_scoped3A : memref<!tpu.dma_semaphore, #tpu.memory_space<semaphore_mem>>) src(%arg11 : memref<15624xf32, #tpu.memory_space<vmem>>) dst(%dma_wait3A_626 : memref<15624xf32, #tpu.memory_space<vmem_shared>>)
      tpu.yield
    }) : () -> ()
    %eq3A = arith.constant 0 : i32
    %eq3A_347 = arith.cmpi eq, %arg1, %eq3A : i32
    %convert_element_type3A = arith.extui %eq3A_347 : i1 to i32
    %cond3A = arith.constant 0 : i32
    %cond3A_348 = arith.constant 0 : i32
    %cond3A_349 = arith.cmpi ne, %convert_element_type3A, %cond3A_348 : i32
    scf.if %cond3A_349 {
      "tpu.region"() ({
        %run_scoped3A = tpu.sem_alloc : memref<!tpu.dma_semaphore, #tpu.memory_space<semaphore_mem>>
        %dma_start3A_623 = arith.constant 0 : i32
        %dma_start3A_624 = tpu.memref_slice %arg10[%dma_start3A_623] : memref<15624xf32, #tpu.memory_space<vmem>> -> memref<64xf32, #tpu.memory_space<vmem>>
        %dma_start3A_625 = arith.constant 0 : i32
        %dma_start3A_626 = tpu.memref_slice %arg3[%cond3A, %dma_start3A_625] : memref<1x1000000xf32, #tpu.memory_space<hbm>> -> memref<1x1000000xf32, #tpu.memory_space<hbm>>
        %dma_start3A_627 = tpu.memref_squeeze %dma_start3A_626 : memref<1x1000000xf32, #tpu.memory_space<hbm>> -> memref<1000000xf32, #tpu.memory_space<hbm>>
        %dma_start3A_628 = arith.constant 999936 : i32
        %dma_start3A_629 = tpu.memref_slice %dma_start3A_627[%dma_start3A_628] : memref<1000000xf32, #tpu.memory_space<hbm>> -> memref<64xf32, #tpu.memory_space<hbm>>
        %dma_start3A_630 = arith.constant 0 : i32
        %dma_start3A_631 = tpu.memref_slice %arg10[%dma_start3A_630] : memref<15624xf32, #tpu.memory_space<vmem>> -> memref<64xf32, #tpu.memory_space<vmem>>
        %dma_start3A_632 = arith.constant 0 : i32
        %dma_start3A_633 = tpu.memref_slice %arg3[%cond3A, %dma_start3A_632] : memref<1x1000000xf32, #tpu.memory_space<hbm>> -> memref<1x1000000xf32, #tpu.memory_space<hbm>>
        %dma_start3A_634 = tpu.memref_squeeze %dma_start3A_633 : memref<1x1000000xf32, #tpu.memory_space<hbm>> -> memref<1000000xf32, #tpu.memory_space<hbm>>
        %dma_start3A_635 = arith.constant 999936 : i32
        %dma_start3A_636 = tpu.memref_slice %dma_start3A_634[%dma_start3A_635] : memref<1000000xf32, #tpu.memory_space<hbm>> -> memref<64xf32, #tpu.memory_space<hbm>>
        tpu.enqueue_dma source(%dma_start3A_636 : memref<64xf32, #tpu.memory_space<hbm>>) target(%dma_start3A_631 : memref<64xf32, #tpu.memory_space<vmem>>) target_semaphore(%run_scoped3A : memref<!tpu.dma_semaphore, #tpu.memory_space<semaphore_mem>>)
        %dma_wait3A_637 = arith.constant 0 : i32
        %dma_wait3A_638 = tpu.memref_slice %arg10[%dma_wait3A_637] : memref<15624xf32, #tpu.memory_space<vmem>> -> memref<64xf32, #tpu.memory_space<vmem>>
        %dma_wait3A_639 = arith.constant 0 : i32
        %dma_wait3A_640 = tpu.memref_slice %arg3[%cond3A, %dma_wait3A_639] : memref<1x1000000xf32, #tpu.memory_space<hbm>> -> memref<1x1000000xf32, #tpu.memory_space<hbm>>
        %dma_wait3A_641 = tpu.memref_squeeze %dma_wait3A_640 : memref<1x1000000xf32, #tpu.memory_space<hbm>> -> memref<1000000xf32, #tpu.memory_space<hbm>>
        %dma_wait3A_642 = arith.constant 999936 : i32
        %dma_wait3A_643 = tpu.memref_slice %dma_wait3A_641[%dma_wait3A_642] : memref<1000000xf32, #tpu.memory_space<hbm>> -> memref<64xf32, #tpu.memory_space<hbm>>
        %dma_wait3A_644 = arith.constant 0 : i32
        %dma_wait3A_645 = tpu.memref_slice %arg10[%dma_wait3A_644] : memref<15624xf32, #tpu.memory_space<vmem>> -> memref<64xf32, #tpu.memory_space<vmem>>
        %dma_wait3A_646 = arith.constant 0 : i32
        %dma_wait3A_647 = tpu.memref_slice %arg3[%cond3A, %dma_wait3A_646] : memref<1x1000000xf32, #tpu.memory_space<hbm>> -> memref<1x1000000xf32, #tpu.memory_space<hbm>>
        %dma_wait3A_648 = tpu.memref_squeeze %dma_wait3A_647 : memref<1x1000000xf32, #tpu.memory_space<hbm>> -> memref<1000000xf32, #tpu.memory_space<hbm>>
        %dma_wait3A_649 = arith.constant 999936 : i32
        %dma_wait3A_650 = tpu.memref_slice %dma_wait3A_648[%dma_wait3A_649] : memref<1000000xf32, #tpu.memory_space<hbm>> -> memref<64xf32, #tpu.memory_space<hbm>>
        tpu.wait_dma2 semaphore(%run_scoped3A : memref<!tpu.dma_semaphore, #tpu.memory_space<semaphore_mem>>) src(%dma_wait3A_650 : memref<64xf32, #tpu.memory_space<hbm>>) dst(%dma_wait3A_645 : memref<64xf32, #tpu.memory_space<vmem>>)
        tpu.yield
      }) : () -> ()
      "tpu.region"() ({
        %run_scoped3A = tpu.sem_alloc : memref<!tpu.dma_semaphore, #tpu.memory_space<semaphore_mem>>
        %dma_start3A_623 = arith.constant 0 : i32
        %dma_start3A_624 = tpu.memref_slice %arg10[%dma_start3A_623] : memref<15624xf32, #tpu.memory_space<vmem>> -> memref<64xf32, #tpu.memory_space<vmem>>
        %dma_start3A_625 = arith.constant 999936 : i32
        %dma_start3A_626 = tpu.memref_slice %arg12[%dma_start3A_625] : memref<1000000xf32, #tpu.memory_space<vmem_shared>> -> memref<64xf32, #tpu.memory_space<vmem_shared>>
        %dma_start3A_627 = arith.constant 999936 : i32
        %dma_start3A_628 = tpu.memref_slice %arg12[%dma_start3A_627] : memref<1000000xf32, #tpu.memory_space<vmem_shared>> -> memref<64xf32, #tpu.memory_space<vmem_shared>>
        %dma_start3A_629 = arith.constant 0 : i32
        %dma_start3A_630 = tpu.memref_slice %arg10[%dma_start3A_629] : memref<15624xf32, #tpu.memory_space<vmem>> -> memref<64xf32, #tpu.memory_space<vmem>>
        tpu.enqueue_dma source(%dma_start3A_630 : memref<64xf32, #tpu.memory_space<vmem>>) target(%dma_start3A_628 : memref<64xf32, #tpu.memory_space<vmem_shared>>) target_semaphore(%run_scoped3A : memref<!tpu.dma_semaphore, #tpu.memory_space<semaphore_mem>>)
        %dma_wait3A_631 = arith.constant 0 : i32
        %dma_wait3A_632 = tpu.memref_slice %arg10[%dma_wait3A_631] : memref<15624xf32, #tpu.memory_space<vmem>> -> memref<64xf32, #tpu.memory_space<vmem>>
        %dma_wait3A_633 = arith.constant 999936 : i32
        %dma_wait3A_634 = tpu.memref_slice %arg12[%dma_wait3A_633] : memref<1000000xf32, #tpu.memory_space<vmem_shared>> -> memref<64xf32, #tpu.memory_space<vmem_shared>>
        %dma_wait3A_635 = arith.constant 999936 : i32
        %dma_wait3A_636 = tpu.memref_slice %arg12[%dma_wait3A_635] : memref<1000000xf32, #tpu.memory_space<vmem_shared>> -> memref<64xf32, #tpu.memory_space<vmem_shared>>
        %dma_wait3A_637 = arith.constant 0 : i32
        %dma_wait3A_638 = tpu.memref_slice %arg10[%dma_wait3A_637] : memref<15624xf32, #tpu.memory_space<vmem>> -> memref<64xf32, #tpu.memory_space<vmem>>
        tpu.wait_dma2 semaphore(%run_scoped3A : memref<!tpu.dma_semaphore, #tpu.memory_space<semaphore_mem>>) src(%dma_wait3A_638 : memref<64xf32, #tpu.memory_space<vmem>>) dst(%dma_wait3A_636 : memref<64xf32, #tpu.memory_space<vmem_shared>>)
        tpu.yield
      }) : () -> ()
    } else {
    }
    %mul3A_350 = arith.constant 512 : i32
    %mul3A_351 = arith.muli %add3A, %mul3A_350 : i32
    %add3A_352 = arith.constant 0 : i32
    %add3A_353 = arith.addi %add3A_352, %mul3A_351 : i32
    %dma_wait3A_354 = arith.constant 0 : i32
    %dma_wait3A_355 = tpu.memref_slice %arg6[%dma_wait3A_354] : memref<13312xi32, #tpu.memory_space<vmem>> -> memref<512xi32, #tpu.memory_space<vmem>>
    %dma_wait3A_356 = tpu.memref_slice %arg2[%add3A_353] : memref<425984xi32, #tpu.memory_space<hbm>> -> memref<512xi32, #tpu.memory_space<hbm>>
    %dma_wait3A_357 = arith.constant 0 : i32
    %dma_wait3A_358 = tpu.memref_slice %arg6[%dma_wait3A_357] : memref<13312xi32, #tpu.memory_space<vmem>> -> memref<512xi32, #tpu.memory_space<vmem>>
    %dma_wait3A_359 = tpu.memref_slice %arg2[%add3A_353] : memref<425984xi32, #tpu.memory_space<hbm>> -> memref<512xi32, #tpu.memory_space<hbm>>
    tpu.wait_dma2 semaphore(%arg13 : memref<!tpu.dma_semaphore, #tpu.memory_space<semaphore_mem>>) src(%dma_wait3A_359 : memref<512xi32, #tpu.memory_space<hbm>>) dst(%dma_wait3A_358 : memref<512xi32, #tpu.memory_space<vmem>>)
    %mul3A_360 = arith.constant 512 : i32
    %mul3A_361 = arith.muli %add3A, %mul3A_360 : i32
    %add3A_362 = arith.constant 16384 : i32
    %add3A_363 = arith.addi %add3A_362, %mul3A_361 : i32
    %dma_wait3A_364 = arith.constant 512 : i32
    %dma_wait3A_365 = tpu.memref_slice %arg6[%dma_wait3A_364] : memref<13312xi32, #tpu.memory_space<vmem>> -> memref<512xi32, #tpu.memory_space<vmem>>
    %dma_wait3A_366 = tpu.memref_slice %arg2[%add3A_363] : memref<425984xi32, #tpu.memory_space<hbm>> -> memref<512xi32, #tpu.memory_space<hbm>>
    %dma_wait3A_367 = arith.constant 512 : i32
    %dma_wait3A_368 = tpu.memref_slice %arg6[%dma_wait3A_367] : memref<13312xi32, #tpu.memory_space<vmem>> -> memref<512xi32, #tpu.memory_space<vmem>>
    %dma_wait3A_369 = tpu.memref_slice %arg2[%add3A_363] : memref<425984xi32, #tpu.memory_space<hbm>> -> memref<512xi32, #tpu.memory_space<hbm>>
    tpu.wait_dma2 semaphore(%arg13 : memref<!tpu.dma_semaphore, #tpu.memory_space<semaphore_mem>>) src(%dma_wait3A_369 : memref<512xi32, #tpu.memory_space<hbm>>) dst(%dma_wait3A_368 : memref<512xi32, #tpu.memory_space<vmem>>)
    %mul3A_370 = arith.constant 512 : i32
    %mul3A_371 = arith.muli %add3A, %mul3A_370 : i32
    %add3A_372 = arith.constant 32768 : i32
    %add3A_373 = arith.addi %add3A_372, %mul3A_371 : i32
    %dma_wait3A_374 = arith.constant 1024 : i32
    %dma_wait3A_375 = tpu.memref_slice %arg6[%dma_wait3A_374] : memref<13312xi32, #tpu.memory_space<vmem>> -> memref<512xi32, #tpu.memory_space<vmem>>
    %dma_wait3A_376 = tpu.memref_slice %arg2[%add3A_373] : memref<425984xi32, #tpu.memory_space<hbm>> -> memref<512xi32, #tpu.memory_space<hbm>>
    %dma_wait3A_377 = arith.constant 1024 : i32
    %dma_wait3A_378 = tpu.memref_slice %arg6[%dma_wait3A_377] : memref<13312xi32, #tpu.memory_space<vmem>> -> memref<512xi32, #tpu.memory_space<vmem>>
    %dma_wait3A_379 = tpu.memref_slice %arg2[%add3A_373] : memref<425984xi32, #tpu.memory_space<hbm>> -> memref<512xi32, #tpu.memory_space<hbm>>
    tpu.wait_dma2 semaphore(%arg13 : memref<!tpu.dma_semaphore, #tpu.memory_space<semaphore_mem>>) src(%dma_wait3A_379 : memref<512xi32, #tpu.memory_space<hbm>>) dst(%dma_wait3A_378 : memref<512xi32, #tpu.memory_space<vmem>>)
    %mul3A_380 = arith.constant 512 : i32
    %mul3A_381 = arith.muli %add3A, %mul3A_380 : i32
    %add3A_382 = arith.constant 49152 : i32
    %add3A_383 = arith.addi %add3A_382, %mul3A_381 : i32
    %dma_wait3A_384 = arith.constant 1536 : i32
    %dma_wait3A_385 = tpu.memref_slice %arg6[%dma_wait3A_384] : memref<13312xi32, #tpu.memory_space<vmem>> -> memref<512xi32, #tpu.memory_space<vmem>>
    %dma_wait3A_386 = tpu.memref_slice %arg2[%add3A_383] : memref<425984xi32, #tpu.memory_space<hbm>> -> memref<512xi32, #tpu.memory_space<hbm>>
    %dma_wait3A_387 = arith.constant 1536 : i32
    %dma_wait3A_388 = tpu.memref_slice %arg6[%dma_wait3A_387] : memref<13312xi32, #tpu.memory_space<vmem>> -> memref<512xi32, #tpu.memory_space<vmem>>
    %dma_wait3A_389 = tpu.memref_slice %arg2[%add3A_383] : memref<425984xi32, #tpu.memory_space<hbm>> -> memref<512xi32, #tpu.memory_space<hbm>>
    tpu.wait_dma2 semaphore(%arg13 : memref<!tpu.dma_semaphore, #tpu.memory_space<semaphore_mem>>) src(%dma_wait3A_389 : memref<512xi32, #tpu.memory_space<hbm>>) dst(%dma_wait3A_388 : memref<512xi32, #tpu.memory_space<vmem>>)
    %mul3A_390 = arith.constant 512 : i32
    %mul3A_391 = arith.muli %add3A, %mul3A_390 : i32
    %add3A_392 = arith.constant 65536 : i32
    %add3A_393 = arith.addi %add3A_392, %mul3A_391 : i32
    %dma_wait3A_394 = arith.constant 2048 : i32
    %dma_wait3A_395 = tpu.memref_slice %arg6[%dma_wait3A_394] : memref<13312xi32, #tpu.memory_space<vmem>> -> memref<512xi32, #tpu.memory_space<vmem>>
    %dma_wait3A_396 = tpu.memref_slice %arg2[%add3A_393] : memref<425984xi32, #tpu.memory_space<hbm>> -> memref<512xi32, #tpu.memory_space<hbm>>
    %dma_wait3A_397 = arith.constant 2048 : i32
    %dma_wait3A_398 = tpu.memref_slice %arg6[%dma_wait3A_397] : memref<13312xi32, #tpu.memory_space<vmem>> -> memref<512xi32, #tpu.memory_space<vmem>>
    %dma_wait3A_399 = tpu.memref_slice %arg2[%add3A_393] : memref<425984xi32, #tpu.memory_space<hbm>> -> memref<512xi32, #tpu.memory_space<hbm>>
    tpu.wait_dma2 semaphore(%arg13 : memref<!tpu.dma_semaphore, #tpu.memory_space<semaphore_mem>>) src(%dma_wait3A_399 : memref<512xi32, #tpu.memory_space<hbm>>) dst(%dma_wait3A_398 : memref<512xi32, #tpu.memory_space<vmem>>)
    %mul3A_400 = arith.constant 512 : i32
    %mul3A_401 = arith.muli %add3A, %mul3A_400 : i32
    %add3A_402 = arith.constant 81920 : i32
    %add3A_403 = arith.addi %add3A_402, %mul3A_401 : i32
    %dma_wait3A_404 = arith.constant 2560 : i32
    %dma_wait3A_405 = tpu.memref_slice %arg6[%dma_wait3A_404] : memref<13312xi32, #tpu.memory_space<vmem>> -> memref<512xi32, #tpu.memory_space<vmem>>
    %dma_wait3A_406 = tpu.memref_slice %arg2[%add3A_403] : memref<425984xi32, #tpu.memory_space<hbm>> -> memref<512xi32, #tpu.memory_space<hbm>>
    %dma_wait3A_407 = arith.constant 2560 : i32
    %dma_wait3A_408 = tpu.memref_slice %arg6[%dma_wait3A_407] : memref<13312xi32, #tpu.memory_space<vmem>> -> memref<512xi32, #tpu.memory_space<vmem>>
    %dma_wait3A_409 = tpu.memref_slice %arg2[%add3A_403] : memref<425984xi32, #tpu.memory_space<hbm>> -> memref<512xi32, #tpu.memory_space<hbm>>
    tpu.wait_dma2 semaphore(%arg13 : memref<!tpu.dma_semaphore, #tpu.memory_space<semaphore_mem>>) src(%dma_wait3A_409 : memref<512xi32, #tpu.memory_space<hbm>>) dst(%dma_wait3A_408 : memref<512xi32, #tpu.memory_space<vmem>>)
    %mul3A_410 = arith.constant 512 : i32
    %mul3A_411 = arith.muli %add3A, %mul3A_410 : i32
    %add3A_412 = arith.constant 98304 : i32
    %add3A_413 = arith.addi %add3A_412, %mul3A_411 : i32
    %dma_wait3A_414 = arith.constant 3072 : i32
    %dma_wait3A_415 = tpu.memref_slice %arg6[%dma_wait3A_414] : memref<13312xi32, #tpu.memory_space<vmem>> -> memref<512xi32, #tpu.memory_space<vmem>>
    %dma_wait3A_416 = tpu.memref_slice %arg2[%add3A_413] : memref<425984xi32, #tpu.memory_space<hbm>> -> memref<512xi32, #tpu.memory_space<hbm>>
    %dma_wait3A_417 = arith.constant 3072 : i32
    %dma_wait3A_418 = tpu.memref_slice %arg6[%dma_wait3A_417] : memref<13312xi32, #tpu.memory_space<vmem>> -> memref<512xi32, #tpu.memory_space<vmem>>
    %dma_wait3A_419 = tpu.memref_slice %arg2[%add3A_413] : memref<425984xi32, #tpu.memory_space<hbm>> -> memref<512xi32, #tpu.memory_space<hbm>>
    tpu.wait_dma2 semaphore(%arg13 : memref<!tpu.dma_semaphore, #tpu.memory_space<semaphore_mem>>) src(%dma_wait3A_419 : memref<512xi32, #tpu.memory_space<hbm>>) dst(%dma_wait3A_418 : memref<512xi32, #tpu.memory_space<vmem>>)
    %mul3A_420 = arith.constant 512 : i32
    %mul3A_421 = arith.muli %add3A, %mul3A_420 : i32
    %add3A_422 = arith.constant 114688 : i32
    %add3A_423 = arith.addi %add3A_422, %mul3A_421 : i32
    %dma_wait3A_424 = arith.constant 3584 : i32
    %dma_wait3A_425 = tpu.memref_slice %arg6[%dma_wait3A_424] : memref<13312xi32, #tpu.memory_space<vmem>> -> memref<512xi32, #tpu.memory_space<vmem>>
    %dma_wait3A_426 = tpu.memref_slice %arg2[%add3A_423] : memref<425984xi32, #tpu.memory_space<hbm>> -> memref<512xi32, #tpu.memory_space<hbm>>
    %dma_wait3A_427 = arith.constant 3584 : i32
    %dma_wait3A_428 = tpu.memref_slice %arg6[%dma_wait3A_427] : memref<13312xi32, #tpu.memory_space<vmem>> -> memref<512xi32, #tpu.memory_space<vmem>>
    %dma_wait3A_429 = tpu.memref_slice %arg2[%add3A_423] : memref<425984xi32, #tpu.memory_space<hbm>> -> memref<512xi32, #tpu.memory_space<hbm>>
    tpu.wait_dma2 semaphore(%arg13 : memref<!tpu.dma_semaphore, #tpu.memory_space<semaphore_mem>>) src(%dma_wait3A_429 : memref<512xi32, #tpu.memory_space<hbm>>) dst(%dma_wait3A_428 : memref<512xi32, #tpu.memory_space<vmem>>)
    %mul3A_430 = arith.constant 512 : i32
    %mul3A_431 = arith.muli %add3A, %mul3A_430 : i32
    %add3A_432 = arith.constant 131072 : i32
    %add3A_433 = arith.addi %add3A_432, %mul3A_431 : i32
    %dma_wait3A_434 = arith.constant 4096 : i32
    %dma_wait3A_435 = tpu.memref_slice %arg6[%dma_wait3A_434] : memref<13312xi32, #tpu.memory_space<vmem>> -> memref<512xi32, #tpu.memory_space<vmem>>
    %dma_wait3A_436 = tpu.memref_slice %arg2[%add3A_433] : memref<425984xi32, #tpu.memory_space<hbm>> -> memref<512xi32, #tpu.memory_space<hbm>>
    %dma_wait3A_437 = arith.constant 4096 : i32
    %dma_wait3A_438 = tpu.memref_slice %arg6[%dma_wait3A_437] : memref<13312xi32, #tpu.memory_space<vmem>> -> memref<512xi32, #tpu.memory_space<vmem>>
    %dma_wait3A_439 = tpu.memref_slice %arg2[%add3A_433] : memref<425984xi32, #tpu.memory_space<hbm>> -> memref<512xi32, #tpu.memory_space<hbm>>
    tpu.wait_dma2 semaphore(%arg13 : memref<!tpu.dma_semaphore, #tpu.memory_space<semaphore_mem>>) src(%dma_wait3A_439 : memref<512xi32, #tpu.memory_space<hbm>>) dst(%dma_wait3A_438 : memref<512xi32, #tpu.memory_space<vmem>>)
    %mul3A_440 = arith.constant 512 : i32
    %mul3A_441 = arith.muli %add3A, %mul3A_440 : i32
    %add3A_442 = arith.constant 147456 : i32
    %add3A_443 = arith.addi %add3A_442, %mul3A_441 : i32
    %dma_wait3A_444 = arith.constant 4608 : i32
    %dma_wait3A_445 = tpu.memref_slice %arg6[%dma_wait3A_444] : memref<13312xi32, #tpu.memory_space<vmem>> -> memref<512xi32, #tpu.memory_space<vmem>>
    %dma_wait3A_446 = tpu.memref_slice %arg2[%add3A_443] : memref<425984xi32, #tpu.memory_space<hbm>> -> memref<512xi32, #tpu.memory_space<hbm>>
    %dma_wait3A_447 = arith.constant 4608 : i32
    %dma_wait3A_448 = tpu.memref_slice %arg6[%dma_wait3A_447] : memref<13312xi32, #tpu.memory_space<vmem>> -> memref<512xi32, #tpu.memory_space<vmem>>
    %dma_wait3A_449 = tpu.memref_slice %arg2[%add3A_443] : memref<425984xi32, #tpu.memory_space<hbm>> -> memref<512xi32, #tpu.memory_space<hbm>>
    tpu.wait_dma2 semaphore(%arg13 : memref<!tpu.dma_semaphore, #tpu.memory_space<semaphore_mem>>) src(%dma_wait3A_449 : memref<512xi32, #tpu.memory_space<hbm>>) dst(%dma_wait3A_448 : memref<512xi32, #tpu.memory_space<vmem>>)
    %mul3A_450 = arith.constant 512 : i32
    %mul3A_451 = arith.muli %add3A, %mul3A_450 : i32
    %add3A_452 = arith.constant 163840 : i32
    %add3A_453 = arith.addi %add3A_452, %mul3A_451 : i32
    %dma_wait3A_454 = arith.constant 5120 : i32
    %dma_wait3A_455 = tpu.memref_slice %arg6[%dma_wait3A_454] : memref<13312xi32, #tpu.memory_space<vmem>> -> memref<512xi32, #tpu.memory_space<vmem>>
    %dma_wait3A_456 = tpu.memref_slice %arg2[%add3A_453] : memref<425984xi32, #tpu.memory_space<hbm>> -> memref<512xi32, #tpu.memory_space<hbm>>
    %dma_wait3A_457 = arith.constant 5120 : i32
    %dma_wait3A_458 = tpu.memref_slice %arg6[%dma_wait3A_457] : memref<13312xi32, #tpu.memory_space<vmem>> -> memref<512xi32, #tpu.memory_space<vmem>>
    %dma_wait3A_459 = tpu.memref_slice %arg2[%add3A_453] : memref<425984xi32, #tpu.memory_space<hbm>> -> memref<512xi32, #tpu.memory_space<hbm>>
    tpu.wait_dma2 semaphore(%arg13 : memref<!tpu.dma_semaphore, #tpu.memory_space<semaphore_mem>>) src(%dma_wait3A_459 : memref<512xi32, #tpu.memory_space<hbm>>) dst(%dma_wait3A_458 : memref<512xi32, #tpu.memory_space<vmem>>)
    %mul3A_460 = arith.constant 512 : i32
    %mul3A_461 = arith.muli %add3A, %mul3A_460 : i32
    %add3A_462 = arith.constant 180224 : i32
    %add3A_463 = arith.addi %add3A_462, %mul3A_461 : i32
    %dma_wait3A_464 = arith.constant 5632 : i32
    %dma_wait3A_465 = tpu.memref_slice %arg6[%dma_wait3A_464] : memref<13312xi32, #tpu.memory_space<vmem>> -> memref<512xi32, #tpu.memory_space<vmem>>
    %dma_wait3A_466 = tpu.memref_slice %arg2[%add3A_463] : memref<425984xi32, #tpu.memory_space<hbm>> -> memref<512xi32, #tpu.memory_space<hbm>>
    %dma_wait3A_467 = arith.constant 5632 : i32
    %dma_wait3A_468 = tpu.memref_slice %arg6[%dma_wait3A_467] : memref<13312xi32, #tpu.memory_space<vmem>> -> memref<512xi32, #tpu.memory_space<vmem>>
    %dma_wait3A_469 = tpu.memref_slice %arg2[%add3A_463] : memref<425984xi32, #tpu.memory_space<hbm>> -> memref<512xi32, #tpu.memory_space<hbm>>
    tpu.wait_dma2 semaphore(%arg13 : memref<!tpu.dma_semaphore, #tpu.memory_space<semaphore_mem>>) src(%dma_wait3A_469 : memref<512xi32, #tpu.memory_space<hbm>>) dst(%dma_wait3A_468 : memref<512xi32, #tpu.memory_space<vmem>>)
    %mul3A_470 = arith.constant 512 : i32
    %mul3A_471 = arith.muli %add3A, %mul3A_470 : i32
    %add3A_472 = arith.constant 196608 : i32
    %add3A_473 = arith.addi %add3A_472, %mul3A_471 : i32
    %dma_wait3A_474 = arith.constant 6144 : i32
    %dma_wait3A_475 = tpu.memref_slice %arg6[%dma_wait3A_474] : memref<13312xi32, #tpu.memory_space<vmem>> -> memref<512xi32, #tpu.memory_space<vmem>>
    %dma_wait3A_476 = tpu.memref_slice %arg2[%add3A_473] : memref<425984xi32, #tpu.memory_space<hbm>> -> memref<512xi32, #tpu.memory_space<hbm>>
    %dma_wait3A_477 = arith.constant 6144 : i32
    %dma_wait3A_478 = tpu.memref_slice %arg6[%dma_wait3A_477] : memref<13312xi32, #tpu.memory_space<vmem>> -> memref<512xi32, #tpu.memory_space<vmem>>
    %dma_wait3A_479 = tpu.memref_slice %arg2[%add3A_473] : memref<425984xi32, #tpu.memory_space<hbm>> -> memref<512xi32, #tpu.memory_space<hbm>>
    tpu.wait_dma2 semaphore(%arg13 : memref<!tpu.dma_semaphore, #tpu.memory_space<semaphore_mem>>) src(%dma_wait3A_479 : memref<512xi32, #tpu.memory_space<hbm>>) dst(%dma_wait3A_478 : memref<512xi32, #tpu.memory_space<vmem>>)
    %mul3A_480 = arith.constant 512 : i32
    %mul3A_481 = arith.muli %add3A, %mul3A_480 : i32
    %add3A_482 = arith.constant 212992 : i32
    %add3A_483 = arith.addi %add3A_482, %mul3A_481 : i32
    %dma_wait3A_484 = arith.constant 6656 : i32
    %dma_wait3A_485 = tpu.memref_slice %arg6[%dma_wait3A_484] : memref<13312xi32, #tpu.memory_space<vmem>> -> memref<512xi32, #tpu.memory_space<vmem>>
    %dma_wait3A_486 = tpu.memref_slice %arg2[%add3A_483] : memref<425984xi32, #tpu.memory_space<hbm>> -> memref<512xi32, #tpu.memory_space<hbm>>
    %dma_wait3A_487 = arith.constant 6656 : i32
    %dma_wait3A_488 = tpu.memref_slice %arg6[%dma_wait3A_487] : memref<13312xi32, #tpu.memory_space<vmem>> -> memref<512xi32, #tpu.memory_space<vmem>>
    %dma_wait3A_489 = tpu.memref_slice %arg2[%add3A_483] : memref<425984xi32, #tpu.memory_space<hbm>> -> memref<512xi32, #tpu.memory_space<hbm>>
    tpu.wait_dma2 semaphore(%arg13 : memref<!tpu.dma_semaphore, #tpu.memory_space<semaphore_mem>>) src(%dma_wait3A_489 : memref<512xi32, #tpu.memory_space<hbm>>) dst(%dma_wait3A_488 : memref<512xi32, #tpu.memory_space<vmem>>)
    %mul3A_490 = arith.constant 512 : i32
    %mul3A_491 = arith.muli %add3A, %mul3A_490 : i32
    %add3A_492 = arith.constant 229376 : i32
    %add3A_493 = arith.addi %add3A_492, %mul3A_491 : i32
    %dma_wait3A_494 = arith.constant 7168 : i32
    %dma_wait3A_495 = tpu.memref_slice %arg6[%dma_wait3A_494] : memref<13312xi32, #tpu.memory_space<vmem>> -> memref<512xi32, #tpu.memory_space<vmem>>
    %dma_wait3A_496 = tpu.memref_slice %arg2[%add3A_493] : memref<425984xi32, #tpu.memory_space<hbm>> -> memref<512xi32, #tpu.memory_space<hbm>>
    %dma_wait3A_497 = arith.constant 7168 : i32
    %dma_wait3A_498 = tpu.memref_slice %arg6[%dma_wait3A_497] : memref<13312xi32, #tpu.memory_space<vmem>> -> memref<512xi32, #tpu.memory_space<vmem>>
    %dma_wait3A_499 = tpu.memref_slice %arg2[%add3A_493] : memref<425984xi32, #tpu.memory_space<hbm>> -> memref<512xi32, #tpu.memory_space<hbm>>
    tpu.wait_dma2 semaphore(%arg13 : memref<!tpu.dma_semaphore, #tpu.memory_space<semaphore_mem>>) src(%dma_wait3A_499 : memref<512xi32, #tpu.memory_space<hbm>>) dst(%dma_wait3A_498 : memref<512xi32, #tpu.memory_space<vmem>>)
    %mul3A_500 = arith.constant 512 : i32
    %mul3A_501 = arith.muli %add3A, %mul3A_500 : i32
    %add3A_502 = arith.constant 245760 : i32
    %add3A_503 = arith.addi %add3A_502, %mul3A_501 : i32
    %dma_wait3A_504 = arith.constant 7680 : i32
    %dma_wait3A_505 = tpu.memref_slice %arg6[%dma_wait3A_504] : memref<13312xi32, #tpu.memory_space<vmem>> -> memref<512xi32, #tpu.memory_space<vmem>>
    %dma_wait3A_506 = tpu.memref_slice %arg2[%add3A_503] : memref<425984xi32, #tpu.memory_space<hbm>> -> memref<512xi32, #tpu.memory_space<hbm>>
    %dma_wait3A_507 = arith.constant 7680 : i32
    %dma_wait3A_508 = tpu.memref_slice %arg6[%dma_wait3A_507] : memref<13312xi32, #tpu.memory_space<vmem>> -> memref<512xi32, #tpu.memory_space<vmem>>
    %dma_wait3A_509 = tpu.memref_slice %arg2[%add3A_503] : memref<425984xi32, #tpu.memory_space<hbm>> -> memref<512xi32, #tpu.memory_space<hbm>>
    tpu.wait_dma2 semaphore(%arg13 : memref<!tpu.dma_semaphore, #tpu.memory_space<semaphore_mem>>) src(%dma_wait3A_509 : memref<512xi32, #tpu.memory_space<hbm>>) dst(%dma_wait3A_508 : memref<512xi32, #tpu.memory_space<vmem>>)
    %mul3A_510 = arith.constant 512 : i32
    %mul3A_511 = arith.muli %add3A, %mul3A_510 : i32
    %add3A_512 = arith.constant 262144 : i32
    %add3A_513 = arith.addi %add3A_512, %mul3A_511 : i32
    %dma_wait3A_514 = arith.constant 8192 : i32
    %dma_wait3A_515 = tpu.memref_slice %arg6[%dma_wait3A_514] : memref<13312xi32, #tpu.memory_space<vmem>> -> memref<512xi32, #tpu.memory_space<vmem>>
    %dma_wait3A_516 = tpu.memref_slice %arg2[%add3A_513] : memref<425984xi32, #tpu.memory_space<hbm>> -> memref<512xi32, #tpu.memory_space<hbm>>
    %dma_wait3A_517 = arith.constant 8192 : i32
    %dma_wait3A_518 = tpu.memref_slice %arg6[%dma_wait3A_517] : memref<13312xi32, #tpu.memory_space<vmem>> -> memref<512xi32, #tpu.memory_space<vmem>>
    %dma_wait3A_519 = tpu.memref_slice %arg2[%add3A_513] : memref<425984xi32, #tpu.memory_space<hbm>> -> memref<512xi32, #tpu.memory_space<hbm>>
    tpu.wait_dma2 semaphore(%arg13 : memref<!tpu.dma_semaphore, #tpu.memory_space<semaphore_mem>>) src(%dma_wait3A_519 : memref<512xi32, #tpu.memory_space<hbm>>) dst(%dma_wait3A_518 : memref<512xi32, #tpu.memory_space<vmem>>)
    %mul3A_520 = arith.constant 512 : i32
    %mul3A_521 = arith.muli %add3A, %mul3A_520 : i32
    %add3A_522 = arith.constant 278528 : i32
    %add3A_523 = arith.addi %add3A_522, %mul3A_521 : i32
    %dma_wait3A_524 = arith.constant 8704 : i32
    %dma_wait3A_525 = tpu.memref_slice %arg6[%dma_wait3A_524] : memref<13312xi32, #tpu.memory_space<vmem>> -> memref<512xi32, #tpu.memory_space<vmem>>
    %dma_wait3A_526 = tpu.memref_slice %arg2[%add3A_523] : memref<425984xi32, #tpu.memory_space<hbm>> -> memref<512xi32, #tpu.memory_space<hbm>>
    %dma_wait3A_527 = arith.constant 8704 : i32
    %dma_wait3A_528 = tpu.memref_slice %arg6[%dma_wait3A_527] : memref<13312xi32, #tpu.memory_space<vmem>> -> memref<512xi32, #tpu.memory_space<vmem>>
    %dma_wait3A_529 = tpu.memref_slice %arg2[%add3A_523] : memref<425984xi32, #tpu.memory_space<hbm>> -> memref<512xi32, #tpu.memory_space<hbm>>
    tpu.wait_dma2 semaphore(%arg13 : memref<!tpu.dma_semaphore, #tpu.memory_space<semaphore_mem>>) src(%dma_wait3A_529 : memref<512xi32, #tpu.memory_space<hbm>>) dst(%dma_wait3A_528 : memref<512xi32, #tpu.memory_space<vmem>>)
    %mul3A_530 = arith.constant 512 : i32
    %mul3A_531 = arith.muli %add3A, %mul3A_530 : i32
    %add3A_532 = arith.constant 294912 : i32
    %add3A_533 = arith.addi %add3A_532, %mul3A_531 : i32
    %dma_wait3A_534 = arith.constant 9216 : i32
    %dma_wait3A_535 = tpu.memref_slice %arg6[%dma_wait3A_534] : memref<13312xi32, #tpu.memory_space<vmem>> -> memref<512xi32, #tpu.memory_space<vmem>>
    %dma_wait3A_536 = tpu.memref_slice %arg2[%add3A_533] : memref<425984xi32, #tpu.memory_space<hbm>> -> memref<512xi32, #tpu.memory_space<hbm>>
    %dma_wait3A_537 = arith.constant 9216 : i32
    %dma_wait3A_538 = tpu.memref_slice %arg6[%dma_wait3A_537] : memref<13312xi32, #tpu.memory_space<vmem>> -> memref<512xi32, #tpu.memory_space<vmem>>
    %dma_wait3A_539 = tpu.memref_slice %arg2[%add3A_533] : memref<425984xi32, #tpu.memory_space<hbm>> -> memref<512xi32, #tpu.memory_space<hbm>>
    tpu.wait_dma2 semaphore(%arg13 : memref<!tpu.dma_semaphore, #tpu.memory_space<semaphore_mem>>) src(%dma_wait3A_539 : memref<512xi32, #tpu.memory_space<hbm>>) dst(%dma_wait3A_538 : memref<512xi32, #tpu.memory_space<vmem>>)
    %mul3A_540 = arith.constant 512 : i32
    %mul3A_541 = arith.muli %add3A, %mul3A_540 : i32
    %add3A_542 = arith.constant 311296 : i32
    %add3A_543 = arith.addi %add3A_542, %mul3A_541 : i32
    %dma_wait3A_544 = arith.constant 9728 : i32
    %dma_wait3A_545 = tpu.memref_slice %arg6[%dma_wait3A_544] : memref<13312xi32, #tpu.memory_space<vmem>> -> memref<512xi32, #tpu.memory_space<vmem>>
    %dma_wait3A_546 = tpu.memref_slice %arg2[%add3A_543] : memref<425984xi32, #tpu.memory_space<hbm>> -> memref<512xi32, #tpu.memory_space<hbm>>
    %dma_wait3A_547 = arith.constant 9728 : i32
    %dma_wait3A_548 = tpu.memref_slice %arg6[%dma_wait3A_547] : memref<13312xi32, #tpu.memory_space<vmem>> -> memref<512xi32, #tpu.memory_space<vmem>>
    %dma_wait3A_549 = tpu.memref_slice %arg2[%add3A_543] : memref<425984xi32, #tpu.memory_space<hbm>> -> memref<512xi32, #tpu.memory_space<hbm>>
    tpu.wait_dma2 semaphore(%arg13 : memref<!tpu.dma_semaphore, #tpu.memory_space<semaphore_mem>>) src(%dma_wait3A_549 : memref<512xi32, #tpu.memory_space<hbm>>) dst(%dma_wait3A_548 : memref<512xi32, #tpu.memory_space<vmem>>)
    %mul3A_550 = arith.constant 512 : i32
    %mul3A_551 = arith.muli %add3A, %mul3A_550 : i32
    %add3A_552 = arith.constant 327680 : i32
    %add3A_553 = arith.addi %add3A_552, %mul3A_551 : i32
    %dma_wait3A_554 = arith.constant 10240 : i32
    %dma_wait3A_555 = tpu.memref_slice %arg6[%dma_wait3A_554] : memref<13312xi32, #tpu.memory_space<vmem>> -> memref<512xi32, #tpu.memory_space<vmem>>
    %dma_wait3A_556 = tpu.memref_slice %arg2[%add3A_553] : memref<425984xi32, #tpu.memory_space<hbm>> -> memref<512xi32, #tpu.memory_space<hbm>>
    %dma_wait3A_557 = arith.constant 10240 : i32
    %dma_wait3A_558 = tpu.memref_slice %arg6[%dma_wait3A_557] : memref<13312xi32, #tpu.memory_space<vmem>> -> memref<512xi32, #tpu.memory_space<vmem>>
    %dma_wait3A_559 = tpu.memref_slice %arg2[%add3A_553] : memref<425984xi32, #tpu.memory_space<hbm>> -> memref<512xi32, #tpu.memory_space<hbm>>
    tpu.wait_dma2 semaphore(%arg13 : memref<!tpu.dma_semaphore, #tpu.memory_space<semaphore_mem>>) src(%dma_wait3A_559 : memref<512xi32, #tpu.memory_space<hbm>>) dst(%dma_wait3A_558 : memref<512xi32, #tpu.memory_space<vmem>>)
    %mul3A_560 = arith.constant 512 : i32
    %mul3A_561 = arith.muli %add3A, %mul3A_560 : i32
    %add3A_562 = arith.constant 344064 : i32
    %add3A_563 = arith.addi %add3A_562, %mul3A_561 : i32
    %dma_wait3A_564 = arith.constant 10752 : i32
    %dma_wait3A_565 = tpu.memref_slice %arg6[%dma_wait3A_564] : memref<13312xi32, #tpu.memory_space<vmem>> -> memref<512xi32, #tpu.memory_space<vmem>>
    %dma_wait3A_566 = tpu.memref_slice %arg2[%add3A_563] : memref<425984xi32, #tpu.memory_space<hbm>> -> memref<512xi32, #tpu.memory_space<hbm>>
    %dma_wait3A_567 = arith.constant 10752 : i32
    %dma_wait3A_568 = tpu.memref_slice %arg6[%dma_wait3A_567] : memref<13312xi32, #tpu.memory_space<vmem>> -> memref<512xi32, #tpu.memory_space<vmem>>
    %dma_wait3A_569 = tpu.memref_slice %arg2[%add3A_563] : memref<425984xi32, #tpu.memory_space<hbm>> -> memref<512xi32, #tpu.memory_space<hbm>>
    tpu.wait_dma2 semaphore(%arg13 : memref<!tpu.dma_semaphore, #tpu.memory_space<semaphore_mem>>) src(%dma_wait3A_569 : memref<512xi32, #tpu.memory_space<hbm>>) dst(%dma_wait3A_568 : memref<512xi32, #tpu.memory_space<vmem>>)
    %mul3A_570 = arith.constant 512 : i32
    %mul3A_571 = arith.muli %add3A, %mul3A_570 : i32
    %add3A_572 = arith.constant 360448 : i32
    %add3A_573 = arith.addi %add3A_572, %mul3A_571 : i32
    %dma_wait3A_574 = arith.constant 11264 : i32
    %dma_wait3A_575 = tpu.memref_slice %arg6[%dma_wait3A_574] : memref<13312xi32, #tpu.memory_space<vmem>> -> memref<512xi32, #tpu.memory_space<vmem>>
    %dma_wait3A_576 = tpu.memref_slice %arg2[%add3A_573] : memref<425984xi32, #tpu.memory_space<hbm>> -> memref<512xi32, #tpu.memory_space<hbm>>
    %dma_wait3A_577 = arith.constant 11264 : i32
    %dma_wait3A_578 = tpu.memref_slice %arg6[%dma_wait3A_577] : memref<13312xi32, #tpu.memory_space<vmem>> -> memref<512xi32, #tpu.memory_space<vmem>>
    %dma_wait3A_579 = tpu.memref_slice %arg2[%add3A_573] : memref<425984xi32, #tpu.memory_space<hbm>> -> memref<512xi32, #tpu.memory_space<hbm>>
    tpu.wait_dma2 semaphore(%arg13 : memref<!tpu.dma_semaphore, #tpu.memory_space<semaphore_mem>>) src(%dma_wait3A_579 : memref<512xi32, #tpu.memory_space<hbm>>) dst(%dma_wait3A_578 : memref<512xi32, #tpu.memory_space<vmem>>)
    %mul3A_580 = arith.constant 512 : i32
    %mul3A_581 = arith.muli %add3A, %mul3A_580 : i32
    %add3A_582 = arith.constant 376832 : i32
    %add3A_583 = arith.addi %add3A_582, %mul3A_581 : i32
    %dma_wait3A_584 = arith.constant 11776 : i32
    %dma_wait3A_585 = tpu.memref_slice %arg6[%dma_wait3A_584] : memref<13312xi32, #tpu.memory_space<vmem>> -> memref<512xi32, #tpu.memory_space<vmem>>
    %dma_wait3A_586 = tpu.memref_slice %arg2[%add3A_583] : memref<425984xi32, #tpu.memory_space<hbm>> -> memref<512xi32, #tpu.memory_space<hbm>>
    %dma_wait3A_587 = arith.constant 11776 : i32
    %dma_wait3A_588 = tpu.memref_slice %arg6[%dma_wait3A_587] : memref<13312xi32, #tpu.memory_space<vmem>> -> memref<512xi32, #tpu.memory_space<vmem>>
    %dma_wait3A_589 = tpu.memref_slice %arg2[%add3A_583] : memref<425984xi32, #tpu.memory_space<hbm>> -> memref<512xi32, #tpu.memory_space<hbm>>
    tpu.wait_dma2 semaphore(%arg13 : memref<!tpu.dma_semaphore, #tpu.memory_space<semaphore_mem>>) src(%dma_wait3A_589 : memref<512xi32, #tpu.memory_space<hbm>>) dst(%dma_wait3A_588 : memref<512xi32, #tpu.memory_space<vmem>>)
    %mul3A_590 = arith.constant 512 : i32
    %mul3A_591 = arith.muli %add3A, %mul3A_590 : i32
    %add3A_592 = arith.constant 393216 : i32
    %add3A_593 = arith.addi %add3A_592, %mul3A_591 : i32
    %dma_wait3A_594 = arith.constant 12288 : i32
    %dma_wait3A_595 = tpu.memref_slice %arg6[%dma_wait3A_594] : memref<13312xi32, #tpu.memory_space<vmem>> -> memref<512xi32, #tpu.memory_space<vmem>>
    %dma_wait3A_596 = tpu.memref_slice %arg2[%add3A_593] : memref<425984xi32, #tpu.memory_space<hbm>> -> memref<512xi32, #tpu.memory_space<hbm>>
    %dma_wait3A_597 = arith.constant 12288 : i32
    %dma_wait3A_598 = tpu.memref_slice %arg6[%dma_wait3A_597] : memref<13312xi32, #tpu.memory_space<vmem>> -> memref<512xi32, #tpu.memory_space<vmem>>
    %dma_wait3A_599 = tpu.memref_slice %arg2[%add3A_593] : memref<425984xi32, #tpu.memory_space<hbm>> -> memref<512xi32, #tpu.memory_space<hbm>>
    tpu.wait_dma2 semaphore(%arg13 : memref<!tpu.dma_semaphore, #tpu.memory_space<semaphore_mem>>) src(%dma_wait3A_599 : memref<512xi32, #tpu.memory_space<hbm>>) dst(%dma_wait3A_598 : memref<512xi32, #tpu.memory_space<vmem>>)
    %mul3A_600 = arith.constant 512 : i32
    %mul3A_601 = arith.muli %add3A, %mul3A_600 : i32
    %add3A_602 = arith.constant 409600 : i32
    %add3A_603 = arith.addi %add3A_602, %mul3A_601 : i32
    %dma_wait3A_604 = arith.constant 12800 : i32
    %dma_wait3A_605 = tpu.memref_slice %arg6[%dma_wait3A_604] : memref<13312xi32, #tpu.memory_space<vmem>> -> memref<512xi32, #tpu.memory_space<vmem>>
    %dma_wait3A_606 = tpu.memref_slice %arg2[%add3A_603] : memref<425984xi32, #tpu.memory_space<hbm>> -> memref<512xi32, #tpu.memory_space<hbm>>
    %dma_wait3A_607 = arith.constant 12800 : i32
    %dma_wait3A_608 = tpu.memref_slice %arg6[%dma_wait3A_607] : memref<13312xi32, #tpu.memory_space<vmem>> -> memref<512xi32, #tpu.memory_space<vmem>>
    %dma_wait3A_609 = tpu.memref_slice %arg2[%add3A_603] : memref<425984xi32, #tpu.memory_space<hbm>> -> memref<512xi32, #tpu.memory_space<hbm>>
    tpu.wait_dma2 semaphore(%arg13 : memref<!tpu.dma_semaphore, #tpu.memory_space<semaphore_mem>>) src(%dma_wait3A_609 : memref<512xi32, #tpu.memory_space<hbm>>) dst(%dma_wait3A_608 : memref<512xi32, #tpu.memory_space<vmem>>)
    %barrier3A = arith.constant 0 : index
    tpu.barrier barrier_id(%barrier3A)
    %dma_start3A_610 = arith.constant 0 : i32
    %dma_start3A_611 = tpu.memref_slice %arg12[%dma_start3A_610] : memref<1000000xf32, #tpu.memory_space<vmem_shared>> -> memref<1000000xf32, #tpu.memory_space<vmem_shared>>
    tpu.enqueue_indirect_dma source(%dma_start3A_611 : memref<1000000xf32, #tpu.memory_space<vmem_shared>>) target(%arg7 : memref<13312xf32, #tpu.memory_space<vmem>>) offsets(%arg6 : memref<13312xi32, #tpu.memory_space<vmem>>) semaphore(%arg13 : memref<!tpu.dma_semaphore, #tpu.memory_space<semaphore_mem>>)
    %dma_wait3A_612 = arith.constant 0 : i32
    %dma_wait3A_613 = tpu.memref_slice %arg12[%dma_wait3A_612] : memref<1000000xf32, #tpu.memory_space<vmem_shared>> -> memref<1000000xf32, #tpu.memory_space<vmem_shared>>
    tpu.wait_indirect_dma semaphore(%arg13 : memref<!tpu.dma_semaphore, #tpu.memory_space<semaphore_mem>>) src(%dma_wait3A_613 : memref<1000000xf32, #tpu.memory_space<vmem_shared>>) dst(%arg7 : memref<13312xf32, #tpu.memory_space<vmem>>)
    %get3A = arith.constant 0 : index
    %get3A_614 = tpu.vector_load %arg8[%get3A] {strides = array<i32>} : memref<16xf32, #tpu.memory_space<vmem>>, vector<16xf32>,
    %scan3A = arith.constant 0 : i32
    %scan3A_615 = arith.constant 0 : i32
    %scan3A_616 = arith.constant 32 : i32
    %scan3A_617 = arith.addi %scan3A_615, %scan3A_616 : i32
    %scan3A_618 = arith.constant 1 : i32
    %scan3A_619 = scf.for %scan3A_623 = %scan3A_615 to %scan3A_617 step %scan3A_618 iter_args(%scan3A_624 = %scan3A) -> (i32)  : i32 {
      %mul3A_625 = arith.constant 16 : i32
      %mul3A_626 = arith.muli %scan3A_623, %mul3A_625 : i32
      %add3A_627 = arith.constant 0 : i32
      %add3A_628 = arith.addi %add3A_627, %mul3A_626 : i32
      %get3A_629 = arith.index_cast %add3A_628 : i32 to index
      %get3A_630 = tpu.vector_load %arg7[%get3A_629] {strides = array<i32>} : memref<13312xf32, #tpu.memory_space<vmem>>, vector<16xf32>,
      %add3A_631 = arith.addf %get3A_614, %get3A_630 : vector<16xf32>
      %mul3A_632 = arith.constant 16 : i32
      %mul3A_633 = arith.muli %scan3A_623, %mul3A_632 : i32
      %add3A_634 = arith.constant 512 : i32
      %add3A_635 = arith.addi %add3A_634, %mul3A_633 : i32
      %get3A_636 = arith.index_cast %add3A_635 : i32 to index
      %get3A_637 = tpu.vector_load %arg7[%get3A_636] {strides = array<i32>} : memref<13312xf32, #tpu.memory_space<vmem>>, vector<16xf32>,
      %add3A_638 = arith.addf %add3A_631, %get3A_637 : vector<16xf32>
      %mul3A_639 = arith.constant 16 : i32
      %mul3A_640 = arith.muli %scan3A_623, %mul3A_639 : i32
      %add3A_641 = arith.constant 1024 : i32
      %add3A_642 = arith.addi %add3A_641, %mul3A_640 : i32
      %get3A_643 = arith.index_cast %add3A_642 : i32 to index
      %get3A_644 = tpu.vector_load %arg7[%get3A_643] {strides = array<i32>} : memref<13312xf32, #tpu.memory_space<vmem>>, vector<16xf32>,
      %add3A_645 = arith.addf %add3A_638, %get3A_644 : vector<16xf32>
      %mul3A_646 = arith.constant 16 : i32
      %mul3A_647 = arith.muli %scan3A_623, %mul3A_646 : i32
      %add3A_648 = arith.constant 1536 : i32
      %add3A_649 = arith.addi %add3A_648, %mul3A_647 : i32
      %get3A_650 = arith.index_cast %add3A_649 : i32 to index
      %get3A_651 = tpu.vector_load %arg7[%get3A_650] {strides = array<i32>} : memref<13312xf32, #tpu.memory_space<vmem>>, vector<16xf32>,
      %add3A_652 = arith.addf %add3A_645, %get3A_651 : vector<16xf32>
      %mul3A_653 = arith.constant 16 : i32
      %mul3A_654 = arith.muli %scan3A_623, %mul3A_653 : i32
      %add3A_655 = arith.constant 2048 : i32
      %add3A_656 = arith.addi %add3A_655, %mul3A_654 : i32
      %get3A_657 = arith.index_cast %add3A_656 : i32 to index
      %get3A_658 = tpu.vector_load %arg7[%get3A_657] {strides = array<i32>} : memref<13312xf32, #tpu.memory_space<vmem>>, vector<16xf32>,
      %add3A_659 = arith.addf %add3A_652, %get3A_658 : vector<16xf32>
      %mul3A_660 = arith.constant 16 : i32
      %mul3A_661 = arith.muli %scan3A_623, %mul3A_660 : i32
      %add3A_662 = arith.constant 2560 : i32
      %add3A_663 = arith.addi %add3A_662, %mul3A_661 : i32
      %get3A_664 = arith.index_cast %add3A_663 : i32 to index
      %get3A_665 = tpu.vector_load %arg7[%get3A_664] {strides = array<i32>} : memref<13312xf32, #tpu.memory_space<vmem>>, vector<16xf32>,
      %add3A_666 = arith.addf %add3A_659, %get3A_665 : vector<16xf32>
      %mul3A_667 = arith.constant 16 : i32
      %mul3A_668 = arith.muli %scan3A_623, %mul3A_667 : i32
      %add3A_669 = arith.constant 3072 : i32
      %add3A_670 = arith.addi %add3A_669, %mul3A_668 : i32
      %get3A_671 = arith.index_cast %add3A_670 : i32 to index
      %get3A_672 = tpu.vector_load %arg7[%get3A_671] {strides = array<i32>} : memref<13312xf32, #tpu.memory_space<vmem>>, vector<16xf32>,
      %add3A_673 = arith.addf %add3A_666, %get3A_672 : vector<16xf32>
      %mul3A_674 = arith.constant 16 : i32
      %mul3A_675 = arith.muli %scan3A_623, %mul3A_674 : i32
      %add3A_676 = arith.constant 3584 : i32
      %add3A_677 = arith.addi %add3A_676, %mul3A_675 : i32
      %get3A_678 = arith.index_cast %add3A_677 : i32 to index
      %get3A_679 = tpu.vector_load %arg7[%get3A_678] {strides = array<i32>} : memref<13312xf32, #tpu.memory_space<vmem>>, vector<16xf32>,
      %add3A_680 = arith.addf %add3A_673, %get3A_679 : vector<16xf32>
      %mul3A_681 = arith.constant 16 : i32
      %mul3A_682 = arith.muli %scan3A_623, %mul3A_681 : i32
      %add3A_683 = arith.constant 4096 : i32
      %add3A_684 = arith.addi %add3A_683, %mul3A_682 : i32
      %get3A_685 = arith.index_cast %add3A_684 : i32 to index
      %get3A_686 = tpu.vector_load %arg7[%get3A_685] {strides = array<i32>} : memref<13312xf32, #tpu.memory_space<vmem>>, vector<16xf32>,
      %add3A_687 = arith.addf %add3A_680, %get3A_686 : vector<16xf32>
      %mul3A_688 = arith.constant 16 : i32
      %mul3A_689 = arith.muli %scan3A_623, %mul3A_688 : i32
      %add3A_690 = arith.constant 4608 : i32
      %add3A_691 = arith.addi %add3A_690, %mul3A_689 : i32
      %get3A_692 = arith.index_cast %add3A_691 : i32 to index
      %get3A_693 = tpu.vector_load %arg7[%get3A_692] {strides = array<i32>} : memref<13312xf32, #tpu.memory_space<vmem>>, vector<16xf32>,
      %add3A_694 = arith.addf %add3A_687, %get3A_693 : vector<16xf32>
      %mul3A_695 = arith.constant 16 : i32
      %mul3A_696 = arith.muli %scan3A_623, %mul3A_695 : i32
      %add3A_697 = arith.constant 5120 : i32
      %add3A_698 = arith.addi %add3A_697, %mul3A_696 : i32
      %get3A_699 = arith.index_cast %add3A_698 : i32 to index
      %get3A_700 = tpu.vector_load %arg7[%get3A_699] {strides = array<i32>} : memref<13312xf32, #tpu.memory_space<vmem>>, vector<16xf32>,
      %add3A_701 = arith.addf %add3A_694, %get3A_700 : vector<16xf32>
      %mul3A_702 = arith.constant 16 : i32
      %mul3A_703 = arith.muli %scan3A_623, %mul3A_702 : i32
      %add3A_704 = arith.constant 5632 : i32
      %add3A_705 = arith.addi %add3A_704, %mul3A_703 : i32
      %get3A_706 = arith.index_cast %add3A_705 : i32 to index
      %get3A_707 = tpu.vector_load %arg7[%get3A_706] {strides = array<i32>} : memref<13312xf32, #tpu.memory_space<vmem>>, vector<16xf32>,
      %add3A_708 = arith.addf %add3A_701, %get3A_707 : vector<16xf32>
      %mul3A_709 = arith.constant 16 : i32
      %mul3A_710 = arith.muli %scan3A_623, %mul3A_709 : i32
      %add3A_711 = arith.constant 6144 : i32
      %add3A_712 = arith.addi %add3A_711, %mul3A_710 : i32
      %get3A_713 = arith.index_cast %add3A_712 : i32 to index
      %get3A_714 = tpu.vector_load %arg7[%get3A_713] {strides = array<i32>} : memref<13312xf32, #tpu.memory_space<vmem>>, vector<16xf32>,
      %add3A_715 = arith.addf %add3A_708, %get3A_714 : vector<16xf32>
      %mul3A_716 = arith.constant 16 : i32
      %mul3A_717 = arith.muli %scan3A_623, %mul3A_716 : i32
      %add3A_718 = arith.constant 6656 : i32
      %add3A_719 = arith.addi %add3A_718, %mul3A_717 : i32
      %get3A_720 = arith.index_cast %add3A_719 : i32 to index
      %get3A_721 = tpu.vector_load %arg7[%get3A_720] {strides = array<i32>} : memref<13312xf32, #tpu.memory_space<vmem>>, vector<16xf32>,
      %add3A_722 = arith.addf %add3A_715, %get3A_721 : vector<16xf32>
      %mul3A_723 = arith.constant 16 : i32
      %mul3A_724 = arith.muli %scan3A_623, %mul3A_723 : i32
      %add3A_725 = arith.constant 7168 : i32
      %add3A_726 = arith.addi %add3A_725, %mul3A_724 : i32
      %get3A_727 = arith.index_cast %add3A_726 : i32 to index
      %get3A_728 = tpu.vector_load %arg7[%get3A_727] {strides = array<i32>} : memref<13312xf32, #tpu.memory_space<vmem>>, vector<16xf32>,
      %add3A_729 = arith.addf %add3A_722, %get3A_728 : vector<16xf32>
      %mul3A_730 = arith.constant 16 : i32
      %mul3A_731 = arith.muli %scan3A_623, %mul3A_730 : i32
      %add3A_732 = arith.constant 7680 : i32
      %add3A_733 = arith.addi %add3A_732, %mul3A_731 : i32
      %get3A_734 = arith.index_cast %add3A_733 : i32 to index
      %get3A_735 = tpu.vector_load %arg7[%get3A_734] {strides = array<i32>} : memref<13312xf32, #tpu.memory_space<vmem>>, vector<16xf32>,
      %add3A_736 = arith.addf %add3A_729, %get3A_735 : vector<16xf32>
      %mul3A_737 = arith.constant 16 : i32
      %mul3A_738 = arith.muli %scan3A_623, %mul3A_737 : i32
      %add3A_739 = arith.constant 8192 : i32
      %add3A_740 = arith.addi %add3A_739, %mul3A_738 : i32
      %get3A_741 = arith.index_cast %add3A_740 : i32 to index
      %get3A_742 = tpu.vector_load %arg7[%get3A_741] {strides = array<i32>} : memref<13312xf32, #tpu.memory_space<vmem>>, vector<16xf32>,
      %add3A_743 = arith.addf %add3A_736, %get3A_742 : vector<16xf32>
      %mul3A_744 = arith.constant 16 : i32
      %mul3A_745 = arith.muli %scan3A_623, %mul3A_744 : i32
      %add3A_746 = arith.constant 8704 : i32
      %add3A_747 = arith.addi %add3A_746, %mul3A_745 : i32
      %get3A_748 = arith.index_cast %add3A_747 : i32 to index
      %get3A_749 = tpu.vector_load %arg7[%get3A_748] {strides = array<i32>} : memref<13312xf32, #tpu.memory_space<vmem>>, vector<16xf32>,
      %add3A_750 = arith.addf %add3A_743, %get3A_749 : vector<16xf32>
      %mul3A_751 = arith.constant 16 : i32
      %mul3A_752 = arith.muli %scan3A_623, %mul3A_751 : i32
      %add3A_753 = arith.constant 9216 : i32
      %add3A_754 = arith.addi %add3A_753, %mul3A_752 : i32
      %get3A_755 = arith.index_cast %add3A_754 : i32 to index
      %get3A_756 = tpu.vector_load %arg7[%get3A_755] {strides = array<i32>} : memref<13312xf32, #tpu.memory_space<vmem>>, vector<16xf32>,
      %add3A_757 = arith.addf %add3A_750, %get3A_756 : vector<16xf32>
      %mul3A_758 = arith.constant 16 : i32
      %mul3A_759 = arith.muli %scan3A_623, %mul3A_758 : i32
      %add3A_760 = arith.constant 9728 : i32
      %add3A_761 = arith.addi %add3A_760, %mul3A_759 : i32
      %get3A_762 = arith.index_cast %add3A_761 : i32 to index
      %get3A_763 = tpu.vector_load %arg7[%get3A_762] {strides = array<i32>} : memref<13312xf32, #tpu.memory_space<vmem>>, vector<16xf32>,
      %add3A_764 = arith.addf %add3A_757, %get3A_763 : vector<16xf32>
      %mul3A_765 = arith.constant 16 : i32
      %mul3A_766 = arith.muli %scan3A_623, %mul3A_765 : i32
      %add3A_767 = arith.constant 10240 : i32
      %add3A_768 = arith.addi %add3A_767, %mul3A_766 : i32
      %get3A_769 = arith.index_cast %add3A_768 : i32 to index
      %get3A_770 = tpu.vector_load %arg7[%get3A_769] {strides = array<i32>} : memref<13312xf32, #tpu.memory_space<vmem>>, vector<16xf32>,
      %add3A_771 = arith.addf %add3A_764, %get3A_770 : vector<16xf32>
      %mul3A_772 = arith.constant 16 : i32
      %mul3A_773 = arith.muli %scan3A_623, %mul3A_772 : i32
      %add3A_774 = arith.constant 10752 : i32
      %add3A_775 = arith.addi %add3A_774, %mul3A_773 : i32
      %get3A_776 = arith.index_cast %add3A_775 : i32 to index
      %get3A_777 = tpu.vector_load %arg7[%get3A_776] {strides = array<i32>} : memref<13312xf32, #tpu.memory_space<vmem>>, vector<16xf32>,
      %add3A_778 = arith.addf %add3A_771, %get3A_777 : vector<16xf32>
      %mul3A_779 = arith.constant 16 : i32
      %mul3A_780 = arith.muli %scan3A_623, %mul3A_779 : i32
      %add3A_781 = arith.constant 11264 : i32
      %add3A_782 = arith.addi %add3A_781, %mul3A_780 : i32
      %get3A_783 = arith.index_cast %add3A_782 : i32 to index
      %get3A_784 = tpu.vector_load %arg7[%get3A_783] {strides = array<i32>} : memref<13312xf32, #tpu.memory_space<vmem>>, vector<16xf32>,
      %add3A_785 = arith.addf %add3A_778, %get3A_784 : vector<16xf32>
      %mul3A_786 = arith.constant 16 : i32
      %mul3A_787 = arith.muli %scan3A_623, %mul3A_786 : i32
      %add3A_788 = arith.constant 11776 : i32
      %add3A_789 = arith.addi %add3A_788, %mul3A_787 : i32
      %get3A_790 = arith.index_cast %add3A_789 : i32 to index
      %get3A_791 = tpu.vector_load %arg7[%get3A_790] {strides = array<i32>} : memref<13312xf32, #tpu.memory_space<vmem>>, vector<16xf32>,
      %add3A_792 = arith.addf %add3A_785, %get3A_791 : vector<16xf32>
      %mul3A_793 = arith.constant 16 : i32
      %mul3A_794 = arith.muli %scan3A_623, %mul3A_793 : i32
      %add3A_795 = arith.constant 12288 : i32
      %add3A_796 = arith.addi %add3A_795, %mul3A_794 : i32
      %get3A_797 = arith.index_cast %add3A_796 : i32 to index
      %get3A_798 = tpu.vector_load %arg7[%get3A_797] {strides = array<i32>} : memref<13312xf32, #tpu.memory_space<vmem>>, vector<16xf32>,
      %add3A_799 = arith.addf %add3A_792, %get3A_798 : vector<16xf32>
      %mul3A_800 = arith.constant 16 : i32
      %mul3A_801 = arith.muli %scan3A_623, %mul3A_800 : i32
      %add3A_802 = arith.constant 12800 : i32
      %add3A_803 = arith.addi %add3A_802, %mul3A_801 : i32
      %get3A_804 = arith.index_cast %add3A_803 : i32 to index
      %get3A_805 = tpu.vector_load %arg7[%get3A_804] {strides = array<i32>} : memref<13312xf32, #tpu.memory_space<vmem>>, vector<16xf32>,
      %add3A_806 = arith.addf %add3A_799, %get3A_805 : vector<16xf32>
      %neg3A = arith.constant 0.000000e+00 : f32
      %neg3A_807 = vector.broadcast %neg3A : f32 to vector<16xf32>
      %neg3A_808 = arith.subf %neg3A_807, %add3A_806 : vector<16xf32>
      %exp3A = math.exp %neg3A_808 : vector<16xf32>
      %add3A_809 = arith.constant 1.000000e+00 : f32
      %add3A_810 = vector.broadcast %add3A_809 : f32 to vector<16xf32>
      %add3A_811 = arith.addf %add3A_810, %exp3A : vector<16xf32>
      %div3A = arith.constant 1.000000e+00 : f32
      %div3A_812 = vector.broadcast %div3A : f32 to vector<16xf32>
      %div3A_813 = arith.divf %div3A_812, %add3A_811 : vector<16xf32>
      %mul3A_814 = arith.constant 16 : i32
      %mul3A_815 = arith.muli %scan3A_623, %mul3A_814 : i32
      %swap3A = arith.index_cast %mul3A_815 : i32 to index
      %swap3A_816 = tpu.vector_load %arg9[%swap3A] {strides = array<i32>} : memref<512xf32, #tpu.memory_space<vmem>>, vector<16xf32>,
      tpu.vector_store %arg9[%swap3A], %div3A_813 {strides = array<i32>} : memref<512xf32, #tpu.memory_space<vmem>>, vector<16xf32>,
      %scan3A_817 = arith.constant 0 : i32
      scf.yield %scan3A_817 : i32
    }
    %scan3A_620 = arith.constant 32 : i32
    %mul3A_621 = arith.constant 512 : i32
    %mul3A_622 = arith.muli %add3A, %mul3A_621 : i32
    "tpu.region"() ({
      %run_scoped3A = tpu.sem_alloc : memref<!tpu.dma_semaphore, #tpu.memory_space<semaphore_mem>>
      %dma_start3A_623 = tpu.memref_slice %arg5[%mul3A_622] : memref<16384xf32, #tpu.memory_space<hbm>> -> memref<512xf32, #tpu.memory_space<hbm>>
      %dma_start3A_624 = tpu.memref_slice %arg5[%mul3A_622] : memref<16384xf32, #tpu.memory_space<hbm>> -> memref<512xf32, #tpu.memory_space<hbm>>
      tpu.enqueue_dma source(%arg9 : memref<512xf32, #tpu.memory_space<vmem>>) target(%dma_start3A_624 : memref<512xf32, #tpu.memory_space<hbm>>) target_semaphore(%run_scoped3A : memref<!tpu.dma_semaphore, #tpu.memory_space<semaphore_mem>>)
      %dma_wait3A_625 = tpu.memref_slice %arg5[%mul3A_622] : memref<16384xf32, #tpu.memory_space<hbm>> -> memref<512xf32, #tpu.memory_space<hbm>>
      %dma_wait3A_626 = tpu.memref_slice %arg5[%mul3A_622] : memref<16384xf32, #tpu.memory_space<hbm>> -> memref<512xf32, #tpu.memory_space<hbm>>
      tpu.wait_dma2 semaphore(%run_scoped3A : memref<!tpu.dma_semaphore, #tpu.memory_space<semaphore_mem>>) src(%arg9 : memref<512xf32, #tpu.memory_space<vmem>>) dst(%dma_wait3A_626 : memref<512xf32, #tpu.memory_space<hbm>>)
      tpu.yield
    }) : () -> ()
    return
  }
}

</mosaic_0001>

<sc_bundles>
// kernel: kernel.3.cloned.1.call-start
scs
__scs_entry_jumppad:
0x0: {  	(pc) =	sbr.rel $0x88, $3  }
0x1: {  	(tag) =	ssettag $0x0;
	lr =	simm.s32 $0x1  }
0x2: {  	[smem:$0x3F9E] =	sst lr;
	_ =	strace $0xD0000000  }
0x3: {  	_ = 	snop  }
0x4: {  	_ = 	snop  }
0x5: {  	_ = 	snop  }
0x6: {  	_ = 	snop  }
0x7: {  	_ = 	snop  }
__scs_overlays_trampoline_lowered:
0x8: {  	[smem:$0x3FAD] =	sst s0  }
0x9: {  	[smem:$0x3FAE] =	sst s1  }
0xa: {  	[smem:$0x3FAF] =	sst s2  }
0xb: {  	[smem:$0x3FB0] =	sst s3  }
0xc: {  	[smem:$0x3FB1] =	sst s4  }
0xd: {  	[smem:$0x3FB2] =	sst s5  }
0xe: {  	[smem:$0x3FB3] =	sst s6  }
0xf: {  	[smem:$0x3FB4] =	sst s7  }
0x10: {  	[smem:$0x3FB5] =	sst s8  }
0x11: {  	[smem:$0x3FB6] =	sst s9;
	s0 =	simm.s32 @!p0 $0x0  }
0x12: {  	s1 =	sld [smem:$0x3F9C];
	s0 =	simm.s32 @p0 $0x1  }
0x13: {  	[smem:$0x3FB7] =	sst s0;
	s0 =	simm.s32 @!p1 $0x0  }
0x14: {  	s2 =	sld [smem:$0x3F9B];
	s0 =	simm.s32 @p1 $0x1  }
0x15: {  	[smem:$0x3FB8] =	sst s0;
	s0 =	simm.s32 @!p2 $0x0  }
0x16: {  	s3 =	sld [smem:$0x3FDB];
	s0 =	simm.s32 @p2 $0x1  }
0x17: {  	s4 =	simm.s32 $0x1BF5;
	[smem:$0x3FBA] =	sst s0  }
0x18: {  	s0 =	sld [smem:$0x3F9D];
	_ =	swait.ge [sflag:s4], $0x0  }
0x19: {  	s7 =	sld [smem:$0x3F9E]  }
0x1a: {  	s8 =	sadd.s32 $0xFFFFE003, lr  }
0x1b: {  	s9 =	sadd.s32 $0xFFFFFEF7, lr;
	s5 =	simm.s32 $0xFFFFFFFF;
	p2 =	slt.u32 s8, $0xFFFFF086  }
0x1c: {  	p1 =	slt.u32 s9, $0xF7A;
	s5 =	simm.s32 @!p2 $0x0  }
0x1d: {  	s5 =	simm.s32 @p1 $0x1;
	p0 =	seq.s32 s7, s2  }
0x1e: {  	s7 =	smul.u32 @!p0 $0xF7A, s2;
	p2 =	seq.s32 @!p0 s5, $0x0  }
0x1f: {  	s9 =	smul.u32 $0xF7A, s1;
	s8 =	simm.s32 @!p0 $0x1BF5;
	p2 =	por !p2, p0  }
0x20: {  	[sflag:s8] =	ssyncset.s32 @!p0 $0xFFFFF086;
	s6 =	sadd.s32 @!p0 s3, s7;
	s7 =	simm.s32 @!p0 $0x108  }
0x21: {  	s3 =	sadd.s32 s3, s9;
	s6 =	sadd.s32 @!p0 $0x88, s6;
	s7 =	simm.s32 @p2 $0x1082  }
0x22: {  	[simem:s7], [sflag:s8] =	dma.local @!p0 [hbm:s6], $0xF7A  }
0x23: {  	s9 =	sor.u32 $0xD0000000, s2;
	s6 =	simm.s32 $0x108;
	_ =	swait.ge @!p0 [sflag:s8], $0x0  }
0x24: {  	s3 =	sadd.s32 $0x88, s3;
	s6 =	simm.s32 @!p1 $0x1082;
	[sflag:s4] =	ssyncset.s32 $0xFFFFF086  }
0x25: {  	[simem:s6], [sflag:s4] =	dma.local [hbm:s3], $0xF7A  }
0x26: {  	[smem:$0x3F9E] =	sst s1;
	(tag) =	ssettag s2;
	_ =	strace s9  }
0x27: {  	s1 =	sld [smem:$0x3FAE]  }
0x28: {  	s2 =	sld [smem:$0x3FAF]  }
0x29: {  	s4 =	sld [smem:$0x3FB1]  }
0x2a: {  	p0 =	seq.s32 s5, $0x0;
	s5 =	sld [smem:$0x3FB2]  }
0x2b: {  	s6 =	sld [smem:$0x3FB3]  }
0x2c: {  	s7 =	sld [smem:$0x3FB4]  }
0x2d: {  	s3 =	simm.s32 $0x108;
	s8 =	sld [smem:$0x3FB5]  }
0x2e: {  	s3 =	simm.s32 @!p0 $0x1082;
	s9 =	sld [smem:$0x3FB6]  }
0x2f: {  	lr =	sadd.s32 s0, s3;
	s0 =	sld [smem:$0x3FAD]  }
0x30: {  	s3 =	sld [smem:$0x3FB0]  }
0x31: {  	[smem:$0x3FB9] =	sst s10  }
0x32: {  	s10 =	sld [smem:$0x3FB7];
	_ =	sdelay $0x3  }
0x33: {  	p0 =	seq.s32 s10, $0x1;
	s10 =	sld [smem:$0x3FB9];
	_ =	sdelay $0x3  }
0x34: {  	[smem:$0x3FB9] =	sst s10  }
0x35: {  	s10 =	sld [smem:$0x3FB8];
	_ =	sdelay $0x3  }
0x36: {  	p1 =	seq.s32 s10, $0x1;
	s10 =	sld [smem:$0x3FB9];
	_ =	sdelay $0x3  }
0x37: {  	[smem:$0x3FB9] =	sst s10  }
0x38: {  	s10 =	sld [smem:$0x3FBA]  }
0x39: {  	_ = 	snop;
	(pc) =	sbr.ind lr, $3  }
0x3a: {  	_ = 	snop  }
0x3b: {  	_ = 	snop  }
0x3c: {  	p2 =	seq.s32 s10, $0x1;
	s10 =	sld [smem:$0x3FB9]  }
0x3d: {  	_ =	shalt  }
0x3e: {  	_ =	shalt  }
0x3f: {  	_ =	shalt  }
0x40: {  	_ =	shalt  }
0x41: {  	_ =	shalt  }
0x42: {  	_ =	shalt  }
0x43: {  	_ =	shalt  }
0x44: {  	_ =	shalt  }
0x45: {  	_ =	shalt  }
0x46: {  	_ =	shalt  }
0x47: {  	_ =	shalt  }
0x48: {  	_ =	shalt  }
0x49: {  	_ =	shalt  }
0x4a: {  	_ =	shalt  }
0x4b: {  	_ =	shalt  }
0x4c: {  	_ =	shalt  }
0x4d: {  	_ =	shalt  }
0x4e: {  	_ =	shalt  }
0x4f: {  	_ =	shalt  }
0x50: {  	_ =	shalt  }
0x51: {  	_ =	shalt  }
0x52: {  	_ =	shalt  }
0x53: {  	_ =	shalt  }
0x54: {  	_ =	shalt  }
0x55: {  	_ =	shalt  }
0x56: {  	_ =	shalt  }
0x57: {  	_ =	shalt  }
0x58: {  	_ =	shalt  }
0x59: {  	_ =	shalt  }
0x5a: {  	_ =	shalt  }
0x5b: {  	_ =	shalt  }
0x5c: {  	_ =	shalt  }
0x5d: {  	_ =	shalt  }
0x5e: {  	_ =	shalt  }
0x5f: {  	_ =	shalt  }
0x60: {  	_ =	shalt  }
0x61: {  	_ =	shalt  }
0x62: {  	_ =	shalt  }
0x63: {  	_ =	shalt  }
0x64: {  	_ =	shalt  }
0x65: {  	_ =	shalt  }
0x66: {  	_ =	shalt  }
0x67: {  	_ =	shalt  }
0x68: {  	_ =	shalt  }
0x69: {  	_ =	shalt  }
0x6a: {  	_ =	shalt  }
0x6b: {  	_ =	shalt  }
0x6c: {  	_ =	shalt  }
0x6d: {  	_ =	shalt  }
0x6e: {  	_ =	shalt  }
0x6f: {  	_ =	shalt  }
0x70: {  	_ =	shalt  }
0x71: {  	_ =	shalt  }
0x72: {  	_ =	shalt  }
0x73: {  	_ =	shalt  }
0x74: {  	_ =	shalt  }
0x75: {  	_ =	shalt  }
0x76: {  	_ =	shalt  }
0x77: {  	_ =	shalt  }
0x78: {  	_ =	shalt  }
0x79: {  	_ =	shalt  }
0x7a: {  	_ =	shalt  }
0x7b: {  	_ =	shalt  }
0x7c: {  	_ =	shalt  }
0x7d: {  	_ =	shalt  }
0x7e: {  	_ =	shalt  }
0x7f: {  	_ =	shalt  }
0x80: {  	_ =	shalt  }
0x81: {  	_ =	shalt  }
0x82: {  	_ =	shalt  }
0x83: {  	_ =	shalt  }
0x84: {  	_ =	shalt  }
0x85: {  	_ =	shalt  }
0x86: {  	_ =	shalt  }
0x87: {  	_ =	shalt  }
.Lfunc_end0:
.L_simem_size_0:
called_computation_lowered:
.L_overlay_start_0:
0x88: {  	s2 =	sld [smem:$0x3FD9]  }
0x89: {  	s3 =	sld [smem:$0x3FFE];
	_ =	sdelay $0x1  }
0x8a: {  	s1 =	srdreg.scid  }
0x8b: {  	s0 =	sand.u32 $0x1, s1  }
0x8c: {  	s17 =	sshll.u32 s0, $0xA;
	s2 =	sadd.s32 s3, s2  }
0x8d: {  	s2 =	sadd.s32 s2, s17  }
0x8e: {  	[smem:$0x3FC5] =	sst s2  }
0x8f: {  	_ = 	snop  }
0x90: {  	s2 =	sld [smem:$0x3FC8]  }
0x91: {  	s18 =	sld [smem:$0x3FD0];
	(tm) =	ssettm $0x1  }
0x92: {  	s4 =	sld [smem:$0x3FFB];
	_ =	sdelay $0x3  }
0x93: {  	_ =	strace s4  }
0x94: {  	s4 =	sld [smem:$0x3FFC];
	_ =	sdelay $0x3  }
0x95: {  	_ =	strace s4  }
0x96: {  	s4 =	sld [smem:$0x3FFD];
	_ =	sdelay $0x3  }
0x97: {  	_ =	strace s4  }
0x98: {  	_ =	strace $0x8FFFFFFF  }
0x99: {  	s19 =	sld [smem:$0x3FDB];
	_ =	sdelay $0x1  }
0x9a: {  	s5 =	simm.s32 $_scs_section_size  }
0x9b: {  	s6 =	simm.s32 $_size__tile_overlayer_lowered;
	s7 =	simm.s32 $_tile_overlayer_lowered  }
0x9c: {  	s22 =	simm.s32 $0x1BFF;
	s21 =	sshll.u32 s7, $0x1;
	s4 =	sadd.s32 s5, s19  }
0x9d: {  	s8 =	simm.s32 $0x0;
	s20 =	sshll.u32 s6, $0x1;
	s6 =	sadd.s32 s21, s4  }
0x9e: {  	[timem:s8], [sflag:s22] =	dma.local [hbm:s6], s20  }
0x9f: {  	_ =	swait.ge [sflag:s22], s20  }
0xa0: {  	s5 =	ssub.s32 $0x0, s20;
	[sflag:s22] =	ssyncset.done $0x0  }
0xa1: {  	[sflag:s22] =	ssyncadd.s32 s5;
	_ =	sdelay $0x1  }
0xa2: {  	s23 =	simm.s32 $0x1B8B  }
0xa3: {  	_ =	swait.ge [sflag:s23], $0x1  }
0xa4: {  	[sflag:s23] =	ssyncset.done $0x0  }
0xa5: {  	s25 =	simm.s32 $0x1B8E;
	s24 =	sld [smem:$0x3FFE];
	[sflag:s23] =	ssyncadd.s32 $0xFFFFFFFF  }
0xa6: {  	s26 =	simm.s32 $execute0_lowered;
	[smem:$0x3FD2] =	sst s25  }
0xa7: {  	s6 =	sshll.u32 s26, $0x1;
	_ =	strace $0x80000046;
	[dreg:$0x1] =	wrdreg $0xFFFFFFFF  }
0xa8: {  	s28 =	simm.s32 $_size_execute0_lowered;
	s4 =	sadd.s32 s4, s6;
	[dreg:$0x0] =	wrdreg $0x0  }
0xa9: {  	s6 =	sshll.u32 s28, $0x1;
	[dreg:$0x2] =	wrdreg s4  }
0xaa: {  	[dreg:$0x3] =	wrdreg s6  }
0xab: {  	[dreg:$0x4] =	wrdreg $0xC0  }
0xac: {  	_ =	task [dreg:s8], $0x5FFFF  }
0xad: {  	[dreg:$0x1] =	wrdreg $0xFFFFFFFF  }
0xae: {  	[dreg:$0x0] =	wrdreg $0x60  }
0xaf: {  	[dreg:$0x2] =	wrdreg s24  }
0xb0: {  	[dreg:$0x3] =	wrdreg s2  }
0xb1: {  	[dreg:$0x4] =	wrdreg s18  }
0xb2: {  	[dreg:$0x5] =	wrdreg $0xE5800  }
0xb3: {  	[dreg:$0x6] =	wrdreg $0x9  }
0xb4: {  	_ =	task.clear_ibuf [dreg:s8], $0x7FFFF;
	_ =	strace $0x90000046  }
0xb5: {  	s29 =	simm.s32 $0x9;
	_ =	strace $0x80000048  }
0xb6: {  	_ =	swait.ge [sflag:s29], $0x1  }
0xb7: {  	[sflag:s29] =	ssyncadd.s32 $0xFFFFFFFF  }
0xb8: {  	_ =	strace $0x90000048  }
0xb9: {  	_ =	sfence  }
0xba: {  	s30 =	sld [smem:$0x0];
	_ =	sdelay $0x2  }
0xbb: {  	s31 =	sshll.u32 s1, $0xD;
	s1 =	sshrl.u32 s1, $0x2  }
0xbc: {  	s3 =	sand.u32 $0x4000, s31;
	s1 =	sadd.s32 s1, s30  }
0xbd: {  	s0 =	sor.u32 s3, s0;
	s1 =	sshll.u32 s1, $0x11  }
0xbe: {  	s0 =	sor.u32 s1, s0  }
0xbf: {  	s0 =	sadd.s32 $0x8F2B, s0  }
0xc0: {  	[sflag:s0] =	ssyncadd.remote.s32 $0x1  }
0xc1: {  	_ =	sfence.sel $0xFFFF  }
0xc2: {  	[dreg:$0x0] =	wrdreg $0xFFFFFFFF;
	(pc) =	sbr.abs _section_cstart, $3  }
0xc3: {  	[dreg:$0x1] =	wrdreg $0xFFFFFFFF  }
0xc4: {  	_ =	task.clear_ibuf [dreg:s8], $0x2FFFF;
	_ =	strace $0x9FFFFFFF  }
0xc5: {  	(tm) =	ssettm $0x7FFFFFFF  }
tec
execute0_lowered:
.L_overlay_start_1:
0x0: {  	(tag) =	ssettag $0x1  }
0x1: {  	s0 =	rddreg [dreg:$0x0];
	s3 =	srdreg.scid  }
0x2: {  	s9 =	rddreg [dreg:$0x1];
	s4 =	stileid.u32;
	s3 =	sand.u32 $0x1, s3  }
0x3: {  	s1 =	rddreg [dreg:$0x2];
	s5 =	sshll.u32 s4, $0x7;
	s6 =	sshll.u32 s3, $0x6  }
0x4: {  	s11 =	rddreg [dreg:$0x3];
	s2 =	simm.s32 $0x0;
	s5 =	sor.u32 s6, s5  }
0x5: {  	[smem:$0x7FF] =	sst s2;
	s7 =	sadd.s32 s5, s0;
	s0 =	sadd.s32 $0xD400, s0  }
0x6: {  	_ =	strace $0x80000047;
	s14 =	sadd.s32 s1, s5;
	[dreg:$0x5] =	wrdreg s0  }
0x7: {  	s17 =	sadd.s32 $0x400, s7;
	[dreg:$0x15] =	wrdreg s14  }
0x8: {  	s18 =	sadd.s32 $0xC00, s7;
	[dreg:$0x7] =	wrdreg s17  }
0x9: {  	p0 =	sne.s32 s4, $0x0;
	s19 =	sadd.s32 $0x1400, s7;
	[dreg:$0x8] =	wrdreg s18  }
0xa: {  	s3 =	ssub.s32 $0x2, s3;
	s20 =	sadd.s32 $0x1C00, s7;
	[dreg:$0x9] =	wrdreg s19  }
0xb: {  	s6 =	smul.u32 $0xF420, s4;
	s21 =	sadd.s32 $0x2400, s7;
	[dreg:$0xa] =	wrdreg s20  }
0xc: {  	s8 =	sshrl.u32 s3, $0x1;
	s22 =	sadd.s32 $0x2C00, s7;
	[dreg:$0xb] =	wrdreg s21  }
0xd: {  	s10 =	ssub.s32 s3, s8;
	s23 =	sadd.s32 $0x3400, s7;
	[dreg:$0xc] =	wrdreg s22  }
0xe: {  	s16 =	sshrl.u32 s6, $0x3;
	s24 =	sadd.s32 $0x3C00, s7;
	[dreg:$0xd] =	wrdreg s23  }
0xf: {  	s25 =	sadd.s32 $0x4400, s7;
	s26 =	sadd.s32 $0x4C00, s7;
	[dreg:$0xe] =	wrdreg s24  }
0x10: {  	s3 =	sadd.s32 $0x5400, s7;
	s8 =	sadd.s32 $0x5C00, s7;
	[dreg:$0xf] =	wrdreg s25  }
0x11: {  	s12 =	sadd.s32 $0x6400, s7;
	s13 =	sadd.s32 $0x6C00, s7;
	[dreg:$0x10] =	wrdreg s26  }
0x12: {  	s15 =	sadd.s32 $0x7400, s7;
	s28 =	sadd.s32 $0xAC00, s7;
	[dreg:$0x11] =	wrdreg s3  }
0x13: {  	s29 =	sadd.s32 $0xB400, s7;
	s30 =	sadd.s32 $0xBC00, s7;
	[dreg:$0x12] =	wrdreg s8  }
0x14: {  	s31 =	sadd.s32 $0xC400, s7;
	s10 =	smax.u32 s10, $0x1;
	[dreg:$0x13] =	wrdreg s12  }
0x15: {  	s14 =	simm.s32 $0x2;
	s0 =	sadd.s32 s9, s16;
	[dreg:$0x14] =	wrdreg s13  }
0x16: {  	[dreg:$0x16] =	wrdreg s15;
	s16 =	sadd.s32 $0x7C00, s7;
	s17 =	sadd.s32 $0x8400, s7  }
0x17: {  	s18 =	sadd.s32 $0x8C00, s7;
	s24 =	sadd.s32 $0x9400, s7;
	s25 =	sadd.s32 $0x9C00, s7  }
0x18: {  	s26 =	sadd.s32 $0xA400, s7;
	s19 =	sadd.s32 $0x3D08, s6;
	[dreg:$0x6] =	wrdreg s0  }
0x19: {  	s21 =	sadd.s32 $0x7A10, s6;
	s3 =	sadd.s32 s6, s11;
	[dreg:$0x17] =	wrdreg s16  }
0x1a: {  	s22 =	sadd.s32 $0xB718, s6;
	s12 =	simm.s32 $0x6A80;
	[dreg:$0x18] =	wrdreg s17  }
0x1b: {  	s13 =	simm.s32 $0x3;
	s15 =	simm.s32 $0xA800;
	[dreg:$0x19] =	wrdreg s18  }
0x1c: {  	s20 =	sshrl.u32 s19, $0x3;
	s0 =	sadd.s32 $0xCC00, s7;
	s23 =	sshrl.u32 s21, $0x3  }
0x1d: {  	s5 =	sadd.s32 s19, s11;
	s6 =	sshrl.u32 s22, $0x3;
	s7 =	sadd.s32 s21, s11  }
0x1e: {  	s8 =	sadd.s32 s22, s11;
	s11 =	sadd.s32 $0xF4200, s11;
	s16 =	simm.s32 $0x1  }
0x1f: {  	s17 =	simm.s32 $0x6880;
	s18 =	simm.s32 $0x0;
	s1 =	sadd.s32 s9, s20  }
0x20: {  	s4 =	sadd.s32 s9, s23;
	s6 =	sadd.s32 s9, s6;
	s9 =	sadd.s32 $0x1E840, s9  }
.LBB2_1:
0x21: {  	s19 =	rddreg [dreg:$0x6]  }
0x22: {  	[tilespmem:s12], [sflag:$0x2] =	stream.linear.gather [hbm4b:s19+s2], $0x3D08, $0x38;
	[tilespmem:$0x1D9A8] =	vst v63  }
0x23: {  	s20 =	rddreg [dreg:$0x7]  }
0x24: {  	[tilespmem:s2], [sflag:$0x1] =	stream.linear.gather [hbm4b:s20+s2], $0x200, $0x38;
	[tilespmem:$0x1D9A8] =	vst v63  }
0x25: {  	s21 =	rddreg [dreg:$0x8];
	s20 =	simm.s32 $0x200  }
0x26: {  	[tilespmem:s20], [sflag:$0x1] =	stream.linear.gather [hbm4b:s21+s2], $0x200, $0x38;
	[tilespmem:$0x1D9A8] =	vst v63  }
0x27: {  	s22 =	rddreg [dreg:$0x9];
	s23 =	simm.s32 $0x400  }
0x28: {  	[tilespmem:s23], [sflag:$0x1] =	stream.linear.gather [hbm4b:s22+s2], $0x200, $0x38;
	[tilespmem:$0x1D9A8] =	vst v63  }
0x29: {  	s20 =	rddreg [dreg:$0xa];
	s21 =	simm.s32 $0x600  }
0x2a: {  	[tilespmem:s21], [sflag:$0x1] =	stream.linear.gather [hbm4b:s20+s2], $0x200, $0x38;
	[tilespmem:$0x1D9A8] =	vst v63  }
0x2b: {  	s22 =	rddreg [dreg:$0xb];
	s23 =	simm.s32 $0x800  }
0x2c: {  	[tilespmem:s23], [sflag:$0x1] =	stream.linear.gather [hbm4b:s22+s2], $0x200, $0x38;
	[tilespmem:$0x1D9A8] =	vst v63  }
0x2d: {  	s20 =	rddreg [dreg:$0xc];
	s21 =	simm.s32 $0xA00  }
0x2e: {  	[tilespmem:s21], [sflag:$0x1] =	stream.linear.gather [hbm4b:s20+s2], $0x200, $0x38;
	[tilespmem:$0x1D9A8] =	vst v63  }
0x2f: {  	s22 =	rddreg [dreg:$0xd];
	s23 =	simm.s32 $0xC00  }
0x30: {  	[tilespmem:s23], [sflag:$0x1] =	stream.linear.gather [hbm4b:s22+s2], $0x200, $0x38;
	[tilespmem:$0x1D9A8] =	vst v63  }
0x31: {  	s20 =	rddreg [dreg:$0xe];
	s21 =	simm.s32 $0xE00  }
0x32: {  	[tilespmem:s21], [sflag:$0x1] =	stream.linear.gather [hbm4b:s20+s2], $0x200, $0x38;
	[tilespmem:$0x1D9A8] =	vst v63  }
0x33: {  	s22 =	rddreg [dreg:$0xf];
	s23 =	simm.s32 $0x1000  }
0x34: {  	[tilespmem:s23], [sflag:$0x1] =	stream.linear.gather [hbm4b:s22+s2], $0x200, $0x38;
	[tilespmem:$0x1D9A8] =	vst v63  }
0x35: {  	s20 =	rddreg [dreg:$0x10];
	s21 =	simm.s32 $0x1200  }
0x36: {  	[tilespmem:s21], [sflag:$0x1] =	stream.linear.gather [hbm4b:s20+s2], $0x200, $0x38;
	[tilespmem:$0x1D9A8] =	vst v63  }
0x37: {  	s22 =	rddreg [dreg:$0x11];
	s23 =	simm.s32 $0x1400  }
0x38: {  	[tilespmem:s23], [sflag:$0x1] =	stream.linear.gather [hbm4b:s22+s2], $0x200, $0x38;
	[tilespmem:$0x1D9A8] =	vst v63  }
0x39: {  	s20 =	rddreg [dreg:$0x12];
	s21 =	simm.s32 $0x1600  }
0x3a: {  	[tilespmem:s21], [sflag:$0x1] =	stream.linear.gather [hbm4b:s20+s2], $0x200, $0x38;
	[tilespmem:$0x1D9A8] =	vst v63  }
0x3b: {  	s22 =	rddreg [dreg:$0x13];
	s23 =	simm.s32 $0x1800  }
0x3c: {  	[tilespmem:s23], [sflag:$0x1] =	stream.linear.gather [hbm4b:s22+s2], $0x200, $0x38;
	[tilespmem:$0x1D9A8] =	vst v63  }
0x3d: {  	s20 =	rddreg [dreg:$0x14];
	s21 =	simm.s32 $0x1A00  }
0x3e: {  	[tilespmem:s21], [sflag:$0x1] =	stream.linear.gather [hbm4b:s20+s2], $0x200, $0x38;
	[tilespmem:$0x1D9A8] =	vst v63  }
0x3f: {  	s22 =	rddreg [dreg:$0x16];
	s23 =	simm.s32 $0x1C00  }
0x40: {  	[tilespmem:s23], [sflag:$0x1] =	stream.linear.gather [hbm4b:s22+s2], $0x200, $0x38;
	[tilespmem:$0x1D9A8] =	vst v63  }
0x41: {  	s20 =	rddreg [dreg:$0x17];
	s21 =	simm.s32 $0x1E00  }
0x42: {  	[tilespmem:s21], [sflag:$0x1] =	stream.linear.gather [hbm4b:s20+s2], $0x200, $0x38;
	[tilespmem:$0x1D9A8] =	vst v63  }
0x43: {  	s22 =	rddreg [dreg:$0x18];
	s23 =	simm.s32 $0x2000  }
0x44: {  	[tilespmem:s23], [sflag:$0x1] =	stream.linear.gather [hbm4b:s22+s2], $0x200, $0x38;
	[tilespmem:$0x1D9A8] =	vst v63  }
0x45: {  	s20 =	rddreg [dreg:$0x19];
	s21 =	simm.s32 $0x2200  }
0x46: {  	[tilespmem:s21], [sflag:$0x1] =	stream.linear.gather [hbm4b:s20+s2], $0x200, $0x38;
	[tilespmem:$0x1D9A8] =	vst v63  }
0x47: {  	s22 =	simm.s32 $0x2400  }
0x48: {  	[tilespmem:s22], [sflag:$0x1] =	stream.linear.gather [hbm4b:s24+s2], $0x200, $0x38;
	[tilespmem:$0x1D9A8] =	vst v63  }
0x49: {  	s23 =	simm.s32 $0x2600  }
0x4a: {  	[tilespmem:s23], [sflag:$0x1] =	stream.linear.gather [hbm4b:s25+s2], $0x200, $0x38;
	[tilespmem:$0x1D9A8] =	vst v63  }
0x4b: {  	s20 =	simm.s32 $0x2800  }
0x4c: {  	[tilespmem:s20], [sflag:$0x1] =	stream.linear.gather [hbm4b:s26+s2], $0x200, $0x38;
	[tilespmem:$0x1D9A8] =	vst v63  }
0x4d: {  	s21 =	simm.s32 $0x2A00  }
0x4e: {  	[tilespmem:s21], [sflag:$0x1] =	stream.linear.gather [hbm4b:s28+s2], $0x200, $0x38;
	[tilespmem:$0x1D9A8] =	vst v63  }
0x4f: {  	s22 =	simm.s32 $0x2C00  }
0x50: {  	[tilespmem:s22], [sflag:$0x1] =	stream.linear.gather [hbm4b:s29+s2], $0x200, $0x38;
	[tilespmem:$0x1D9A8] =	vst v63  }
0x51: {  	s23 =	simm.s32 $0x2E00  }
0x52: {  	[tilespmem:s23], [sflag:$0x1] =	stream.linear.gather [hbm4b:s30+s2], $0x200, $0x38;
	[tilespmem:$0x1D9A8] =	vst v63  }
0x53: {  	s20 =	simm.s32 $0x3000  }
0x54: {  	[tilespmem:s20], [sflag:$0x1] =	stream.linear.gather [hbm4b:s31+s2], $0x200, $0x38;
	[tilespmem:$0x1D9A8] =	vst v63  }
0x55: {  	s21 =	simm.s32 $0x3200  }
0x56: {  	[tilespmem:s21], [sflag:$0x1] =	stream.linear.gather [hbm4b:s0+s2], $0x200, $0x38;
	[tilespmem:$0x1D9A8] =	vst v63  }
0x57: {  	s22 =	rddreg [dreg:$0x5];
	s23 =	simm.s32 $0x6800  }
0x58: {  	[tilespmem:s23], [sflag:$0x3] =	stream.linear.gather [hbm4b:s22+s2], $0x80, $0x38;
	[tilespmem:$0x1D9A8] =	vst v63  }
0x59: {  	_ =	swait.ge [sflag:s13], $0x80  }
0x5a: {  	[sflag:s13] =	ssyncset.done $0x0  }
0x5b: {  	[sflag:s13] =	ssyncadd.s32 $0xFFFFFF80  }
0x5c: {  	_ =	swait.ge [sflag:s14], $0x3D08  }
0x5d: {  	[sflag:s14] =	ssyncset.done $0x0  }
0x5e: {  	[sflag:s14] =	ssyncadd.s32 $0xFFFFC2F8  }
0x5f: {  	[tilespmem:s15], [sflag:$0x2] =	stream.linear.gather [hbm4b:s1+s2], $0x3D08, $0x38;
	[tilespmem:$0x1D9A8] =	vst v63  }
0x60: {  	_ = 	snop  }
0x61: {  	[spmem:s3] =	stream.linear.scatter [tilespmem:s12], [sflag:$0x3], $0x3D08, $0x38;
	[tilespmem:$0x1D9A8] =	vst v63  }
0x62: {  	_ =	swait.ge [sflag:s13], $0x3D08  }
0x63: {  	[sflag:s13] =	ssyncset.done $0x0  }
0x64: {  	[sflag:s13] =	ssyncadd.s32 $0xFFFFC2F8  }
0x65: {  	_ =	swait.ge [sflag:s14], $0x3D08  }
0x66: {  	[sflag:s14] =	ssyncset.done $0x0  }
0x67: {  	[sflag:s14] =	ssyncadd.s32 $0xFFFFC2F8  }
0x68: {  	[tilespmem:s12], [sflag:$0x2] =	stream.linear.gather [hbm4b:s4+s2], $0x3D08, $0x38;
	[tilespmem:$0x1D9A8] =	vst v63  }
0x69: {  	_ = 	snop  }
0x6a: {  	[spmem:s5] =	stream.linear.scatter [tilespmem:s15], [sflag:$0x3], $0x3D08, $0x38;
	[tilespmem:$0x1D9A8] =	vst v63  }
0x6b: {  	_ =	swait.ge [sflag:s13], $0x3D08  }
0x6c: {  	[sflag:s13] =	ssyncset.done $0x0  }
0x6d: {  	[sflag:s13] =	ssyncadd.s32 $0xFFFFC2F8  }
0x6e: {  	_ =	swait.ge [sflag:s14], $0x3D08  }
0x6f: {  	[sflag:s14] =	ssyncset.done $0x0  }
0x70: {  	[sflag:s14] =	ssyncadd.s32 $0xFFFFC2F8  }
0x71: {  	[tilespmem:s15], [sflag:$0x2] =	stream.linear.gather [hbm4b:s6+s2], $0x3D08, $0x38;
	[tilespmem:$0x1D9A8] =	vst v63  }
0x72: {  	_ = 	snop  }
0x73: {  	[spmem:s7] =	stream.linear.scatter [tilespmem:s12], [sflag:$0x3], $0x3D08, $0x38;
	[tilespmem:$0x1D9A8] =	vst v63  }
0x74: {  	_ =	swait.ge [sflag:s13], $0x3D08  }
0x75: {  	[sflag:s13] =	ssyncset.done $0x0  }
0x76: {  	[sflag:s13] =	ssyncadd.s32 $0xFFFFC2F8  }
0x77: {  	_ =	swait.ge [sflag:s14], $0x3D08  }
0x78: {  	[sflag:s14] =	ssyncset.done $0x0  }
0x79: {  	[sflag:s14] =	ssyncadd.s32 $0xFFFFC2F8  }
0x7a: {  	[spmem:s8] =	stream.linear.scatter [tilespmem:s15], [sflag:$0x3], $0x3D08, $0x38;
	[tilespmem:$0x1D9A8] =	vst v63  }
0x7b: {  	_ =	swait.ge [sflag:s13], $0x3D08  }
0x7c: {  	[sflag:s13] =	ssyncset.done $0x0  }
0x7d: {  	s19 =	simm.s32 @!p0 $0x0;
	s20 =	simm.s32 @!p0 $0x6A80;
	[sflag:s13] =	ssyncadd.s32 $0xFFFFC2F8  }
0x7e: {  	[tilespmem:s20], [sflag:$0x3] =	stream.linear.gather @!p0 [hbm4b:s9+s19], $0x40, $0x38;
	[tilespmem:$0x1D9A8] =	vst v63  }
0x7f: {  	s19 =	simm.s32 @!p0 $0x3  }
0x80: {  	_ =	swait.ge @!p0 [sflag:s19], $0x40  }
0x81: {  	[sflag:s19] =	ssyncset.done @!p0 $0x0  }
0x82: {  	[sflag:s19] =	ssyncadd.s32 @!p0 $0xFFFFFFC0  }
0x83: {  	[spmem:s11] =	stream.linear.scatter @!p0 [tilespmem:s20], [sflag:$0x3], $0x40, $0x38;
	[tilespmem:$0x1D9A8] =	vst v63  }
0x84: {  	_ =	swait.ge @!p0 [sflag:s19], $0x40  }
0x85: {  	[sflag:s19] =	ssyncset.done @!p0 $0x0  }
0x86: {  	[sflag:s19] =	ssyncadd.s32 @!p0 $0xFFFFFFC0  }
0x87: {  	_ =	swait.ge [sflag:s16], $0x200  }
0x88: {  	[sflag:s16] =	ssyncset.done $0x0  }
0x89: {  	[sflag:s16] =	ssyncadd.s32 $0xFFFFFE00  }
0x8a: {  	_ =	swait.ge [sflag:s16], $0x200  }
0x8b: {  	[sflag:s16] =	ssyncset.done $0x0  }
0x8c: {  	[sflag:s16] =	ssyncadd.s32 $0xFFFFFE00  }
0x8d: {  	_ =	swait.ge [sflag:s16], $0x200  }
0x8e: {  	[sflag:s16] =	ssyncset.done $0x0  }
0x8f: {  	[sflag:s16] =	ssyncadd.s32 $0xFFFFFE00  }
0x90: {  	_ =	swait.ge [sflag:s16], $0x200  }
0x91: {  	[sflag:s16] =	ssyncset.done $0x0  }
0x92: {  	[sflag:s16] =	ssyncadd.s32 $0xFFFFFE00  }
0x93: {  	_ =	swait.ge [sflag:s16], $0x200  }
0x94: {  	[sflag:s16] =	ssyncset.done $0x0  }
0x95: {  	[sflag:s16] =	ssyncadd.s32 $0xFFFFFE00  }
0x96: {  	_ =	swait.ge [sflag:s16], $0x200  }
0x97: {  	[sflag:s16] =	ssyncset.done $0x0  }
0x98: {  	[sflag:s16] =	ssyncadd.s32 $0xFFFFFE00  }
0x99: {  	_ =	swait.ge [sflag:s16], $0x200  }
0x9a: {  	[sflag:s16] =	ssyncset.done $0x0  }
0x9b: {  	[sflag:s16] =	ssyncadd.s32 $0xFFFFFE00  }
0x9c: {  	_ =	swait.ge [sflag:s16], $0x200  }
0x9d: {  	[sflag:s16] =	ssyncset.done $0x0  }
0x9e: {  	[sflag:s16] =	ssyncadd.s32 $0xFFFFFE00  }
0x9f: {  	_ =	swait.ge [sflag:s16], $0x200  }
0xa0: {  	[sflag:s16] =	ssyncset.done $0x0  }
0xa1: {  	[sflag:s16] =	ssyncadd.s32 $0xFFFFFE00  }
0xa2: {  	_ =	swait.ge [sflag:s16], $0x200  }
0xa3: {  	[sflag:s16] =	ssyncset.done $0x0  }
0xa4: {  	[sflag:s16] =	ssyncadd.s32 $0xFFFFFE00  }
0xa5: {  	_ =	swait.ge [sflag:s16], $0x200  }
0xa6: {  	[sflag:s16] =	ssyncset.done $0x0  }
0xa7: {  	[sflag:s16] =	ssyncadd.s32 $0xFFFFFE00  }
0xa8: {  	_ =	swait.ge [sflag:s16], $0x200  }
0xa9: {  	[sflag:s16] =	ssyncset.done $0x0  }
0xaa: {  	[sflag:s16] =	ssyncadd.s32 $0xFFFFFE00  }
0xab: {  	_ =	swait.ge [sflag:s16], $0x200  }
0xac: {  	[sflag:s16] =	ssyncset.done $0x0  }
0xad: {  	[sflag:s16] =	ssyncadd.s32 $0xFFFFFE00  }
0xae: {  	_ =	swait.ge [sflag:s16], $0x200  }
0xaf: {  	[sflag:s16] =	ssyncset.done $0x0  }
0xb0: {  	[sflag:s16] =	ssyncadd.s32 $0xFFFFFE00  }
0xb1: {  	_ =	swait.ge [sflag:s16], $0x200  }
0xb2: {  	[sflag:s16] =	ssyncset.done $0x0  }
0xb3: {  	[sflag:s16] =	ssyncadd.s32 $0xFFFFFE00  }
0xb4: {  	_ =	swait.ge [sflag:s16], $0x200  }
0xb5: {  	[sflag:s16] =	ssyncset.done $0x0  }
0xb6: {  	[sflag:s16] =	ssyncadd.s32 $0xFFFFFE00  }
0xb7: {  	_ =	swait.ge [sflag:s16], $0x200  }
0xb8: {  	[sflag:s16] =	ssyncset.done $0x0  }
0xb9: {  	[sflag:s16] =	ssyncadd.s32 $0xFFFFFE00  }
0xba: {  	_ =	swait.ge [sflag:s16], $0x200  }
0xbb: {  	[sflag:s16] =	ssyncset.done $0x0  }
0xbc: {  	[sflag:s16] =	ssyncadd.s32 $0xFFFFFE00  }
0xbd: {  	_ =	swait.ge [sflag:s16], $0x200  }
0xbe: {  	[sflag:s16] =	ssyncset.done $0x0  }
0xbf: {  	[sflag:s16] =	ssyncadd.s32 $0xFFFFFE00  }
0xc0: {  	_ =	swait.ge [sflag:s16], $0x200  }
0xc1: {  	[sflag:s16] =	ssyncset.done $0x0  }
0xc2: {  	[sflag:s16] =	ssyncadd.s32 $0xFFFFFE00  }
0xc3: {  	_ =	swait.ge [sflag:s16], $0x200  }
0xc4: {  	[sflag:s16] =	ssyncset.done $0x0  }
0xc5: {  	[sflag:s16] =	ssyncadd.s32 $0xFFFFFE00  }
0xc6: {  	_ =	swait.ge [sflag:s16], $0x200  }
0xc7: {  	[sflag:s16] =	ssyncset.done $0x0  }
0xc8: {  	[sflag:s16] =	ssyncadd.s32 $0xFFFFFE00  }
0xc9: {  	_ =	swait.ge [sflag:s16], $0x200  }
0xca: {  	[sflag:s16] =	ssyncset.done $0x0  }
0xcb: {  	[sflag:s16] =	ssyncadd.s32 $0xFFFFFE00  }
0xcc: {  	_ =	swait.ge [sflag:s16], $0x200  }
0xcd: {  	[sflag:s16] =	ssyncset.done $0x0  }
0xce: {  	[sflag:s16] =	ssyncadd.s32 $0xFFFFFE00  }
0xcf: {  	_ =	swait.ge [sflag:s16], $0x200  }
0xd0: {  	[sflag:s16] =	ssyncset.done $0x0  }
0xd1: {  	[sflag:s16] =	ssyncadd.s32 $0xFFFFFE00  }
0xd2: {  	_ =	swait.ge [sflag:s16], $0x200  }
0xd3: {  	[sflag:s16] =	ssyncset.done $0x0  }
0xd4: {  	[sflag:s16] =	ssyncadd.s32 $0xFFFFFE00  }
0xd5: {  	[bflag:$0x0] =	sbarrier.arrive $0xFFFF  }
0xd6: {  	s21 =	simm.s32 $0x3400;
	s22 =	rddreg [dreg:$0x3]  }
0xd7: {  	[tilespmem:s21], [sflag:$0x1] =	stream.indirect.gather [spmem:s22], $0x1, s2, s21, $0xb8;
	[tilespmem:$0x1D9A8] =	vst v63  }
0xd8: {  	_ =	swait.ge [sflag:s16], $0x3400  }
0xd9: {  	[sflag:s16] =	ssyncset.done $0x0  }
0xda: {  	[sflag:s16] =	ssyncadd.s32 $0xFFFFCC00  }
0xdb: {  	v0 =	vld [tilespmem:$0x6800]  }
0xdc: {  	v1 =	vld [tilespmem:s21+$0x0]  }
0xdd: {  	s23 =	sand.u32 $0x1F0, s2  }
0xde: {  	v2 =	vld [tilespmem:s23+$0x3600];
	_ =	sdelay $0x1  }
0xdf: {  	v3 =	vld [tilespmem:s23+$0x3800]  }
0xe0: {  	v1 =	vadd.f32 v1, v0  }
0xe1: {  	v4 =	vld [tilespmem:s23+$0x3A00]  }
0xe2: {  	v1 =	vadd.f32 v2, v1  }
0xe3: {  	v2 =	vld [tilespmem:s23+$0x3C00]  }
0xe4: {  	v1 =	vadd.f32 v3, v1  }
0xe5: {  	v3 =	vld [tilespmem:s23+$0x3E00]  }
0xe6: {  	v1 =	vadd.f32 v4, v1  }
0xe7: {  	v57 =	vld [tilespmem:s23+$0x4000]  }
0xe8: {  	v1 =	vadd.f32 v2, v1  }
0xe9: {  	v2 =	vld [tilespmem:s23+$0x4200]  }
0xea: {  	v1 =	vadd.f32 v3, v1  }
0xeb: {  	v3 =	vld [tilespmem:s23+$0x4400]  }
0xec: {  	v1 =	vadd.f32 v57, v1  }
0xed: {  	v58 =	vld [tilespmem:s23+$0x4600]  }
0xee: {  	v1 =	vadd.f32 v2, v1  }
0xef: {  	v2 =	vld [tilespmem:s23+$0x4800]  }
0xf0: {  	v1 =	vadd.f32 v3, v1  }
0xf1: {  	v3 =	vld [tilespmem:s23+$0x4A00]  }
0xf2: {  	v1 =	vadd.f32 v58, v1  }
0xf3: {  	v59 =	vld [tilespmem:s23+$0x4C00]  }
0xf4: {  	v1 =	vadd.f32 v2, v1  }
0xf5: {  	v2 =	vld [tilespmem:s23+$0x4E00]  }
0xf6: {  	v1 =	vadd.f32 v3, v1  }
0xf7: {  	v3 =	vld [tilespmem:s23+$0x5000]  }
0xf8: {  	v1 =	vadd.f32 v59, v1  }
0xf9: {  	v60 =	vld [tilespmem:s23+$0x5200]  }
0xfa: {  	v1 =	vadd.f32 v2, v1  }
0xfb: {  	v2 =	vld [tilespmem:s23+$0x5400]  }
0xfc: {  	v1 =	vadd.f32 v3, v1  }
0xfd: {  	v3 =	vld [tilespmem:s23+$0x5600]  }
0xfe: {  	v1 =	vadd.f32 v60, v1  }
0xff: {  	v61 =	vld [tilespmem:s23+$0x5800]  }
0x100: {  	v1 =	vadd.f32 v2, v1  }
0x101: {  	v2 =	vld [tilespmem:s23+$0x5A00]  }
0x102: {  	v1 =	vadd.f32 v3, v1  }
0x103: {  	v3 =	vld [tilespmem:s23+$0x5C00]  }
0x104: {  	v1 =	vadd.f32 v61, v1  }
0x105: {  	v62 =	vld [tilespmem:s23+$0x5E00]  }
0x106: {  	v1 =	vadd.f32 v2, v1  }
0x107: {  	v2 =	vld [tilespmem:s23+$0x6000]  }
0x108: {  	v1 =	vadd.f32 v3, v1  }
0x109: {  	v3 =	vld [tilespmem:s23+$0x6200]  }
0x10a: {  	v1 =	vadd.f32 v62, v1  }
0x10b: {  	v63 =	vld [tilespmem:s23+$0x6400]  }
0x10c: {  	v1 =	vadd.f32 v2, v1  }
0x10d: {  	v2 =	vld [tilespmem:s23+$0x6600]  }
0x10e: {  	v1 =	vadd.f32 v3, v1;
	_ =	sdelay $0x1  }
0x10f: {  	v1 =	vadd.f32 v63, v1;
	_ =	sdelay $0x1  }
0x110: {  	v1 =	vadd.f32 v2, v1;
	_ =	sdelay $0x1  }
0x111: {  	v1 =	vsub.f32 $0.0e+00, v1;
	_ =	sdelay $0x1  }
0x112: {  	v1 =	vmul.f32 $1.442695020e+00, v1;
	_ =	sdelay $0x1  }
0x113: {  	(erf) = vpow2.f32 v1;
	_ =	sdelay $0x8  }
0x114: {  	v1 =	vpop (erf)  }
0x115: {  	v1 =	vadd.f32 $1.000000000e+00, v1;
	_ =	sdelay $0x1  }
0x116: {  	(erf) = vrcp.f32 v1;
	_ =	sdelay $0x8  }
0x117: {  	v1 =	vpop (erf)  }
0x118: {  	s20 =	simm.s32 $0x3410;
	[tilespmem:s17+$0x0] =	vst v1  }
0x119: {  	s19 =	simm.s32 $0x6880;
	s22 =	simm.s32 $0x20;
	s21 =	simm.s32 $0x10;
	v1 =	vld [tilespmem:s20+$0x0]  }
.LBB2_2:
0x11a: {  	p1 =	sne.s32 s22, $0x1F0;
	s23 =	sand.u32 $0x1F0, s21;
	s21 =	smov.u32 s22  }
0x11b: {  	v2 =	vld [tilespmem:s23+$0x3600];
	_ =	sdelay $0x1  }
0x11c: {  	v3 =	vld [tilespmem:s23+$0x3800]  }
0x11d: {  	v1 =	vadd.f32 v1, v0  }
0x11e: {  	v4 =	vld [tilespmem:s23+$0x3A00]  }
0x11f: {  	v1 =	vadd.f32 v2, v1  }
0x120: {  	v2 =	vld [tilespmem:s23+$0x3C00]  }
0x121: {  	v1 =	vadd.f32 v3, v1  }
0x122: {  	v3 =	vld [tilespmem:s23+$0x3E00]  }
0x123: {  	v1 =	vadd.f32 v4, v1  }
0x124: {  	v4 =	vld [tilespmem:s23+$0x4000]  }
0x125: {  	v1 =	vadd.f32 v2, v1  }
0x126: {  	v2 =	vld [tilespmem:s23+$0x4200]  }
0x127: {  	v1 =	vadd.f32 v3, v1  }
0x128: {  	v3 =	vld [tilespmem:s23+$0x4400]  }
0x129: {  	v1 =	vadd.f32 v4, v1  }
0x12a: {  	v4 =	vld [tilespmem:s23+$0x4600]  }
0x12b: {  	v1 =	vadd.f32 v2, v1  }
0x12c: {  	v2 =	vld [tilespmem:s23+$0x4800]  }
0x12d: {  	v1 =	vadd.f32 v3, v1  }
0x12e: {  	v3 =	vld [tilespmem:s23+$0x4A00]  }
0x12f: {  	v1 =	vadd.f32 v4, v1  }
0x130: {  	v4 =	vld [tilespmem:s23+$0x4C00]  }
0x131: {  	v1 =	vadd.f32 v2, v1  }
0x132: {  	v2 =	vld [tilespmem:s23+$0x4E00]  }
0x133: {  	v1 =	vadd.f32 v3, v1  }
0x134: {  	v3 =	vld [tilespmem:s23+$0x5000]  }
0x135: {  	v1 =	vadd.f32 v4, v1  }
0x136: {  	v4 =	vld [tilespmem:s23+$0x5200]  }
0x137: {  	v1 =	vadd.f32 v2, v1  }
0x138: {  	v2 =	vld [tilespmem:s23+$0x5400]  }
0x139: {  	v1 =	vadd.f32 v3, v1  }
0x13a: {  	v3 =	vld [tilespmem:s23+$0x5600]  }
0x13b: {  	v1 =	vadd.f32 v4, v1  }
0x13c: {  	v4 =	vld [tilespmem:s23+$0x5800]  }
0x13d: {  	v1 =	vadd.f32 v2, v1  }
0x13e: {  	v2 =	vld [tilespmem:s23+$0x5A00]  }
0x13f: {  	v1 =	vadd.f32 v3, v1  }
0x140: {  	v3 =	vld [tilespmem:s23+$0x5C00]  }
0x141: {  	v1 =	vadd.f32 v4, v1  }
0x142: {  	v4 =	vld [tilespmem:s23+$0x5E00]  }
0x143: {  	v1 =	vadd.f32 v2, v1  }
0x144: {  	v2 =	vld [tilespmem:s23+$0x6000]  }
0x145: {  	v1 =	vadd.f32 v3, v1  }
0x146: {  	v3 =	vld [tilespmem:s23+$0x6200]  }
0x147: {  	v1 =	vadd.f32 v4, v1  }
0x148: {  	v4 =	vld [tilespmem:s23+$0x6400]  }
0x149: {  	v1 =	vadd.f32 v2, v1  }
0x14a: {  	v2 =	vld [tilespmem:s23+$0x6600]  }
0x14b: {  	v1 =	vadd.f32 v3, v1;
	_ =	sdelay $0x1  }
0x14c: {  	v1 =	vadd.f32 v4, v1;
	_ =	sdelay $0x1  }
0x14d: {  	v1 =	vadd.f32 v2, v1;
	_ =	sdelay $0x1  }
0x14e: {  	v1 =	vsub.f32 $0.0e+00, v1;
	_ =	sdelay $0x1  }
0x14f: {  	v1 =	vmul.f32 $1.442695020e+00, v1;
	_ =	sdelay $0x1  }
0x150: {  	(erf) = vpow2.f32 v1;
	_ =	sdelay $0x8  }
0x151: {  	v1 =	vpop (erf)  }
0x152: {  	v1 =	vadd.f32 $1.000000000e+00, v1;
	_ =	sdelay $0x1  }
0x153: {  	(erf) = vrcp.f32 v1;
	_ =	sdelay $0x6  }
.Ltmp0:
0x154: {  	(pc) =	sbr.rel @p1 .LBB2_2-.Ltmp0, $4  }
0x155: {  	_ = 	snop  }
0x156: {  	s19 =	sadd.s32 $0x10, s19;
	v1 =	vpop (erf)  }
0x157: {  	s20 =	sadd.s32 $0x10, s20;
	[tilespmem:s19+$0x0] =	vst v1  }
0x158: {  	s22 =	sadd.s32 $0x10, s22;
	v1 =	vld [tilespmem:s20+$0x0]  }
0x159: {  	s20 =	sand.u32 $0x1F0, s21  }
0x15a: {  	v2 =	vld [tilespmem:s20+$0x3600];
	_ =	sdelay $0x1  }
0x15b: {  	v3 =	vld [tilespmem:s20+$0x3800]  }
0x15c: {  	v0 =	vadd.f32 v1, v0  }
0x15d: {  	v41 =	vld [tilespmem:s20+$0x3A00]  }
0x15e: {  	v0 =	vadd.f32 v2, v0  }
0x15f: {  	v42 =	vld [tilespmem:s20+$0x3C00]  }
0x160: {  	v0 =	vadd.f32 v3, v0  }
0x161: {  	v43 =	vld [tilespmem:s20+$0x3E00]  }
0x162: {  	v0 =	vadd.f32 v41, v0  }
0x163: {  	v44 =	vld [tilespmem:s20+$0x4000]  }
0x164: {  	v0 =	vadd.f32 v42, v0  }
0x165: {  	v45 =	vld [tilespmem:s20+$0x4200]  }
0x166: {  	v0 =	vadd.f32 v43, v0  }
0x167: {  	v46 =	vld [tilespmem:s20+$0x4400]  }
0x168: {  	v0 =	vadd.f32 v44, v0  }
0x169: {  	v47 =	vld [tilespmem:s20+$0x4600]  }
0x16a: {  	v0 =	vadd.f32 v45, v0  }
0x16b: {  	v48 =	vld [tilespmem:s20+$0x4800]  }
0x16c: {  	v0 =	vadd.f32 v46, v0  }
0x16d: {  	v49 =	vld [tilespmem:s20+$0x4A00]  }
0x16e: {  	v0 =	vadd.f32 v47, v0  }
0x16f: {  	v50 =	vld [tilespmem:s20+$0x4C00]  }
0x170: {  	v0 =	vadd.f32 v48, v0  }
0x171: {  	v51 =	vld [tilespmem:s20+$0x4E00]  }
0x172: {  	v0 =	vadd.f32 v49, v0  }
0x173: {  	v52 =	vld [tilespmem:s20+$0x5000]  }
0x174: {  	v0 =	vadd.f32 v50, v0  }
0x175: {  	v53 =	vld [tilespmem:s20+$0x5200]  }
0x176: {  	v0 =	vadd.f32 v51, v0  }
0x177: {  	v54 =	vld [tilespmem:s20+$0x5400]  }
0x178: {  	v0 =	vadd.f32 v52, v0  }
0x179: {  	v55 =	vld [tilespmem:s20+$0x5600]  }
0x17a: {  	v0 =	vadd.f32 v53, v0  }
0x17b: {  	v56 =	vld [tilespmem:s20+$0x5800]  }
0x17c: {  	v0 =	vadd.f32 v54, v0  }
0x17d: {  	v57 =	vld [tilespmem:s20+$0x5A00]  }
0x17e: {  	v0 =	vadd.f32 v55, v0  }
0x17f: {  	v58 =	vld [tilespmem:s20+$0x5C00]  }
0x180: {  	v0 =	vadd.f32 v56, v0  }
0x181: {  	v59 =	vld [tilespmem:s20+$0x5E00]  }
0x182: {  	v0 =	vadd.f32 v57, v0  }
0x183: {  	v60 =	vld [tilespmem:s20+$0x6000]  }
0x184: {  	v0 =	vadd.f32 v58, v0  }
0x185: {  	v61 =	vld [tilespmem:s20+$0x6200]  }
0x186: {  	v0 =	vadd.f32 v59, v0  }
0x187: {  	v62 =	vld [tilespmem:s20+$0x6400]  }
0x188: {  	v0 =	vadd.f32 v60, v0  }
0x189: {  	v63 =	vld [tilespmem:s20+$0x6600]  }
0x18a: {  	v0 =	vadd.f32 v61, v0;
	_ =	sdelay $0x1  }
0x18b: {  	v0 =	vadd.f32 v62, v0;
	_ =	sdelay $0x1  }
0x18c: {  	v0 =	vadd.f32 v63, v0;
	_ =	sdelay $0x1  }
0x18d: {  	v0 =	vsub.f32 $0.0e+00, v0;
	_ =	sdelay $0x1  }
0x18e: {  	v0 =	vmul.f32 $1.442695020e+00, v0;
	_ =	sdelay $0x1  }
0x18f: {  	(erf) = vpow2.f32 v0;
	_ =	sdelay $0x8  }
0x190: {  	v0 =	vpop (erf)  }
0x191: {  	v0 =	vadd.f32 $1.000000000e+00, v0;
	_ =	sdelay $0x1  }
0x192: {  	(erf) = vrcp.f32 v0;
	_ =	sdelay $0x7  }
0x193: {  	s18 =	sadd.s32 $0x1, s18  }
0x194: {  	s19 =	sadd.s32 $0x10, s19;
	p1 =	sne.s32 s18, s10;
	v0 =	vpop (erf)  }
.Ltmp1:
0x195: {  	s23 =	rddreg [dreg:$0x15];
	[tilespmem:s19+$0x0] =	vst v0;
	(pc) =	sbr.rel @p1 .LBB2_1-.Ltmp1, $4  }
0x196: {  	[hbm4b:s23+s2] =	stream.linear.scatter [tilespmem:s17], [sflag:$0x3], $0x200, $0x38;
	[tilespmem:$0x1D9A8] =	vst v63  }
0x197: {  	_ =	swait.ge [sflag:s13], $0x200  }
0x198: {  	[sflag:s13] =	ssyncset.done $0x0  }
0x199: {  	[sflag:s13] =	ssyncadd.s32 $0xFFFFFE00  }
0x19a: {  	_ =	sfence.sel $0x180000  }
0x19b: {  	[bflag:$0x0] =	sbarrier.arrive $0xFFFF  }
0x19c: {  	_ =	strace $0x90000047  }
0x19d: {  	[bflag:$0x2] =	sbarrier.arrive $0xFFFF  }
0x19e: {  	s0 =	rddreg [dreg:$0x4]  }
0x19f: {  	s0 =	sadd.s32 @!p0 $0x100000, s0  }
0x1a0: {  	[sflag:s0] =	ssyncadd.tile.s32 @!p0 $0x1;
	_ =	shalt  }
.Lfunc_end2:
_tile_overlayer_lowered:
.L_overlay_start_2:
0x1a1: {  	(tag) =	ssettag $0x2  }
0x1a2: {  	s0 =	rddreg [dreg:$0x0];
	s2 =	stileid.u32  }
0x1a3: {  	s1 =	rddreg [dreg:$0x1];
	p0 =	sne.s32 s2, $0x0  }
0x1a4: {  	s3 =	rddreg [dreg:$0x2];
	[bflag:$0x3] =	sbarrier.arrive $0xFFFF;
	s2 =	simm.s32 @!p0 $0x1C03  }
0x1a5: {  	[timem:s3], [sflag:s2] =	dma.local @!p0 [hbm:s0], s1  }
0x1a6: {  	s0 =	simm.s32 @!p0 $0x3  }
0x1a7: {  	_ =	swait.ge @!p0 [sflag:s0], s1  }
0x1a8: {  	s1 =	ssub.s32 @!p0 $0x0, s1;
	[sflag:s0] =	ssyncset.done @!p0 $0x0  }
0x1a9: {  	[sflag:s0] =	ssyncadd.s32 @!p0 s1  }
0x1aa: {  	[bflag:$0x3] =	sbarrier.arrive $0xFFFF  }
0x1ab: {  	_ =	shalt  }

</sc_bundles>
